<compile_context>
chip_gen: v7x
topology: tpu7x:2x2x1
jax: 0.10.2.dev20260603
libtpu: 0.0.44.dev20260713+nightly
codegen_flags: <defaults>
</compile_context>

<pallas_src>
import functools

import jax
import jax.numpy as jnp
from jax import lax
from jax.experimental import pallas as pl
from jax.experimental.pallas import tpu as pltpu
from jax.experimental.pallas import tpu_sc as plsc

_TAU = 5.0
_K = 4096
_TL = 1024


def _logits_body(tok_ref, cond_ref, w_ref, b_ref, out_ref):
    t = tok_ref[...] + cond_ref[0]
    tb = t.astype(jnp.bfloat16).astype(jnp.float32)
    wb = w_ref[...].astype(jnp.bfloat16).astype(jnp.float32)
    out_ref[...] = jnp.sum(tb * wb, axis=1, keepdims=True) + b_ref[0]


def _q_body(logits_ref, g_ref, q_ref):
    s = (logits_ref[...] + g_ref[...]) / _TAU
    m = jnp.max(s, axis=1, keepdims=True)
    y = jnp.exp(s - m)
    q_ref[...] = y / jnp.sum(y, axis=1, keepdims=True)


def _make_sc_select(B, L):
    mesh = plsc.VectorSubcoreMesh(core_axis_name="c", subcore_axis_name="s")
    nch = L // 16

    @functools.partial(
        pl.kernel,
        mesh=mesh,
        out_type=jax.ShapeDtypeStruct((B, L), jnp.float32),
        compiler_params=pltpu.CompilerParams(needs_layout_passes=False),
        scratch_types=[
            pltpu.VMEM((L,), jnp.float32),
            pltpu.VMEM((L,), jnp.float32),
            pltpu.VMEM((L + 16,), jnp.int32),
            pltpu.VMEM((L + 16,), jnp.int32),
            pltpu.VMEM((256,), jnp.int32),
        ],
    )
    def sc_select(q_hbm, mask_hbm, qv, mv, va, vb, hist):
        wid = lax.axis_index("s") * 2 + lax.axis_index("c")

        @pl.when(wid < B)
        def _():
            row = wid
            pltpu.sync_copy(q_hbm.at[row], qv)
            iota16 = lax.iota(jnp.int32, 16)
            ones16 = jnp.ones((16,), jnp.int32)
            kvec = jnp.full((16,), _K, jnp.int32)

            n = jnp.int32(L)
            count_above = jnp.zeros((16,), jnp.int32)
            uk = jnp.zeros((16,), jnp.int32)
            levels = [(22, 256, None, va), (14, 256, va, vb),
                      (6, 256, vb, va), (0, 64, va, vb)]
            for shift, nb, src, dst in levels:
                maskb = nb - 1

                @plsc.parallel_loop(0, nb // 16)
                def zbody(i):
                    hist[pl.ds(i * 16, 16)] = jnp.zeros((16,), jnp.int32)
                nch_d = (n + 15) // 16

                def read(i):
                    if src is None:
                        return lax.bitcast_convert_type(
                            qv[pl.ds(i * 16, 16)], jnp.int32)
                    return src[pl.ds(i * 16, 16)]

                @plsc.parallel_loop(0, nch_d, unroll=8)
                def hbody(i):
                    idx = (read(i) >> shift) & maskb
                    valid = (iota16 + i * 16) < n
                    plsc.addupdate_scatter(hist, [idx], ones16, mask=valid)

                thr = count_above + n - _K

                def sbody(i, carry):
                    ps, b_star, found = carry
                    pc = plsc.cumsum(hist[pl.ds(i * 16, 16)])
                    f = plsc.all_reduce_ffs((ps + pc) > thr)
                    hit = f < 16
                    b_star = jnp.where((found > 0) | (~hit), b_star, i * 16 + f)
                    return (ps + pc[15], b_star, found | hit.astype(jnp.int32))

                _, b_star, _ = plsc.parallel_loop(
                    0, nb // 16,
                    carry=(jnp.zeros((16,), jnp.int32),
                           jnp.zeros((16,), jnp.int32),
                           jnp.zeros((16,), jnp.int32)))(sbody)

                def cbody(i, carry):
                    off, ca = carry
                    v = read(i)
                    idx = (v >> shift) & maskb
                    valid = (iota16 + i * 16) < n
                    gtb = (idx > b_star) & valid
                    eqb = (idx == b_star) & valid
                    plsc.store_compressed(
                        dst.at[pl.ds(off, 16)], v, mask=eqb)
                    return (off + plsc.all_reduce_population_count(eqb)[0],
                            ca + plsc.all_reduce_population_count(gtb))

                n, count_above = plsc.parallel_loop(
                    0, nch_d, unroll=2,
                    carry=(jnp.int32(0), count_above))(cbody)
                uk = uk | (b_star << shift)

            need = kvec - count_above

            def wbody(i, tiecnt):
                v = lax.bitcast_convert_type(qv[pl.ds(i * 16, 16)], jnp.int32)
                gt = v > uk
                eq = v == uk
                run = plsc.cumsum(ones16, mask=eq)
                sel = gt | (eq & ((tiecnt + run) <= need))
                mv[pl.ds(i * 16, 16)] = jnp.where(sel, 1.0, 0.0).astype(jnp.float32)
                return tiecnt + plsc.all_reduce_population_count(eq)

            plsc.parallel_loop(
                0, nch, unroll=8,
                carry=jnp.zeros((16,), jnp.int32))(wbody)
            pltpu.sync_copy(mv, mask_hbm.at[row])

    return sc_select


def kernel(token, cond, W, b):
    B, L, D = token.shape
    g = jax.random.gumbel(jax.random.key(42), (B, L), jnp.float32)

    tok2 = token.reshape(B * L, D)
    cond3 = cond.reshape(B, 1, D)
    blocks_per_batch = L // _TL
    logits = pl.pallas_call(
        _logits_body,
        grid=(B * L // _TL,),
        in_specs=[
            pl.BlockSpec((_TL, D), lambda j: (j, 0)),
            pl.BlockSpec((1, 1, D), lambda j: (j // blocks_per_batch, 0, 0)),
            pl.BlockSpec((1, D), lambda j: (0, 0)),
            pl.BlockSpec(memory_space=pltpu.SMEM),
        ],
        out_specs=pl.BlockSpec((_TL, 1), lambda j: (j, 0)),
        out_shape=jax.ShapeDtypeStruct((B * L, 1), jnp.float32),
    )(tok2, cond3, W, b)
    logits = logits.reshape(B, L)

    q = pl.pallas_call(
        _q_body,
        out_shape=jax.ShapeDtypeStruct((B, L), jnp.float32),
    )(logits, g)

    mask = _make_sc_select(B, L)(q)

    return (mask, logits)

# --- scband reference (transcript-rebuilt; emitter-appended) ---
"""Pipeline reference for scband-tdrouter-89369679495690 (READ-ONLY COPY).

The authoritative reference and input builder live on the scoring server;
editing this copy changes nothing except your own understanding.
"""

import jax, jax.numpy as jnp
import numpy as np


def setup_inputs(seed: int = 0) -> dict:
    key = jax.random.key(seed)
    k1, k2, k3, k4 = jax.random.split(key, 4)
    token = jax.random.normal(k1, (4, 8192, 2048), dtype=jnp.float32)
    cond = jax.random.normal(k2, (4, 2048), dtype=jnp.float32)
    # nn.Linear(dim=2048, 1, bias=True) parameters
    bound = 1.0 / np.sqrt(2048)
    W = jax.random.uniform(k3, (1, 2048), dtype=jnp.float32, minval=-bound, maxval=bound)
    b = jax.random.uniform(k4, (1,), dtype=jnp.float32, minval=-bound, maxval=bound)
    return {"token": token, "cond": cond, "W": W, "b": b}


def multihot_gumbel_softmax(logits, tau, hard, sample_tokens, noise_key):
    # gumbels = -log(Exp(1)) which is standard Gumbel(0,1) noise
    gumbels = jax.random.gumbel(noise_key, logits.shape, dtype=logits.dtype)
    gumbels = (logits + gumbels) / tau
    y_soft = jax.nn.softmax(gumbels, axis=-1)
    if hard:
        k = min(sample_tokens, logits.shape[1])
        _, indices = jax.lax.top_k(y_soft, k)
        B = logits.shape[0]
        y_hard = jnp.zeros_like(logits).at[jnp.arange(B)[:, None], indices].set(1.0)
        ret = y_hard - jax.lax.stop_gradient(y_soft) + y_soft
    else:
        ret = y_soft
    return ret


def reference(token, cond, W, b):
    tau = 5.0
    is_hard = True
    sample_tokens = 4096
    # token is 3D [B, L, D]; no 4D permute branch needed
    t = token + cond[:, None, :]
    logits = (t @ W.T + b)[..., 0]  # fc(token).squeeze(-1)
    mask = multihot_gumbel_softmax(logits, tau=tau, hard=is_hard,
                                   sample_tokens=sample_tokens,
                                   noise_key=jax.random.key(42))
    return (mask.astype(logits.dtype), logits)

if __name__ == "__main__":
    import jax
    _d = setup_inputs()
    print(jax.jit(kernel)(*tuple(_d.values())))

</pallas_src>

<mosaic_0001>
#map = affine_map<(d0, d1) -> (0, 0)>
module attributes {stable_mosaic.version = 14 : i64} {
  func.func @sc_select(%arg0: i32, %arg1: i32, %arg2: memref<4x8192xf32, #tpu.memory_space<hbm>>, %arg3: memref<4x8192xf32, #tpu.memory_space<hbm>>, %arg4: memref<8192xf32, #tpu.memory_space<vmem>>, %arg5: memref<8192xf32, #tpu.memory_space<vmem>>, %arg6: memref<8208xi32, #tpu.memory_space<vmem>>, %arg7: memref<8208xi32, #tpu.memory_space<vmem>>, %arg8: memref<256xi32, #tpu.memory_space<vmem>>) attributes {dimension_semantics = [#tpu.dimension_semantics<core_parallel>, #tpu.dimension_semantics<subcore_parallel>], iteration_bounds = array<i64: 2, 16>, scalar_prefetch = 0 : i64, scratch_operands = 5 : i64, tpu.core_type = #tpu.core_type<sc_vector_subcore>, window_params = [{transform_indices = #map}, {transform_indices = #map}]} {
    %mul3A = arith.constant 2 : i32
    %mul3A_0 = arith.muli %arg1, %mul3A : i32
    %add3A = arith.addi %mul3A_0, %arg0 : i32
    %lt3A = arith.constant 4 : i32
    %lt3A_1 = arith.cmpi slt, %add3A, %lt3A : i32
    %convert_element_type3A = arith.extui %lt3A_1 : i1 to i32
    %cond3A = arith.constant 0 : i32
    %cond3A_2 = arith.cmpi ne, %convert_element_type3A, %cond3A : i32
    scf.if %cond3A_2 {
      "tpu.region"() ({
        %run_scoped3A = tpu.sem_alloc : memref<!tpu.dma_semaphore, #tpu.memory_space<semaphore_mem>>
        %dma_start3A = arith.constant 0 : i32
        %dma_start3A_226 = tpu.memref_slice %arg2[%add3A, %dma_start3A] : memref<4x8192xf32, #tpu.memory_space<hbm>> -> memref<1x8192xf32, #tpu.memory_space<hbm>>
        %dma_start3A_227 = tpu.memref_squeeze %dma_start3A_226 : memref<1x8192xf32, #tpu.memory_space<hbm>> -> memref<8192xf32, #tpu.memory_space<hbm>>
        %dma_start3A_228 = arith.constant 0 : i32
        %dma_start3A_229 = tpu.memref_slice %arg2[%add3A, %dma_start3A_228] : memref<4x8192xf32, #tpu.memory_space<hbm>> -> memref<1x8192xf32, #tpu.memory_space<hbm>>
        %dma_start3A_230 = tpu.memref_squeeze %dma_start3A_229 : memref<1x8192xf32, #tpu.memory_space<hbm>> -> memref<8192xf32, #tpu.memory_space<hbm>>
        tpu.enqueue_dma source(%dma_start3A_230 : memref<8192xf32, #tpu.memory_space<hbm>>) target(%arg4 : memref<8192xf32, #tpu.memory_space<vmem>>) target_semaphore(%run_scoped3A : memref<!tpu.dma_semaphore, #tpu.memory_space<semaphore_mem>>)
        %dma_wait3A = arith.constant 0 : i32
        %dma_wait3A_231 = tpu.memref_slice %arg2[%add3A, %dma_wait3A] : memref<4x8192xf32, #tpu.memory_space<hbm>> -> memref<1x8192xf32, #tpu.memory_space<hbm>>
        %dma_wait3A_232 = tpu.memref_squeeze %dma_wait3A_231 : memref<1x8192xf32, #tpu.memory_space<hbm>> -> memref<8192xf32, #tpu.memory_space<hbm>>
        %dma_wait3A_233 = arith.constant 0 : i32
        %dma_wait3A_234 = tpu.memref_slice %arg2[%add3A, %dma_wait3A_233] : memref<4x8192xf32, #tpu.memory_space<hbm>> -> memref<1x8192xf32, #tpu.memory_space<hbm>>
        %dma_wait3A_235 = tpu.memref_squeeze %dma_wait3A_234 : memref<1x8192xf32, #tpu.memory_space<hbm>> -> memref<8192xf32, #tpu.memory_space<hbm>>
        tpu.wait_dma2 semaphore(%run_scoped3A : memref<!tpu.dma_semaphore, #tpu.memory_space<semaphore_mem>>) src(%dma_wait3A_235 : memref<8192xf32, #tpu.memory_space<hbm>>) dst(%arg4 : memref<8192xf32, #tpu.memory_space<vmem>>)
        tpu.yield
      }) : () -> ()
      %iota3A = tpu.iota {dimensions = array<i32: 0>} : vector<16xi32>
      %broadcast_in_dim3A = arith.constant 1 : i32
      %broadcast_in_dim3A_3 = vector.broadcast %broadcast_in_dim3A : i32 to vector<16xi32>
      %broadcast_in_dim3A_4 = arith.constant 4096 : i32
      %broadcast_in_dim3A_5 = vector.broadcast %broadcast_in_dim3A_4 : i32 to vector<16xi32>
      %broadcast_in_dim3A_6 = arith.constant 0 : i32
      %broadcast_in_dim3A_7 = vector.broadcast %broadcast_in_dim3A_6 : i32 to vector<16xi32>
      %broadcast_in_dim3A_8 = arith.constant 0 : i32
      %broadcast_in_dim3A_9 = vector.broadcast %broadcast_in_dim3A_8 : i32 to vector<16xi32>
      %parallel_loop3A = arith.constant 0 : i32
      %parallel_loop3A_10 = arith.constant 16 : i32
      %parallel_loop3A_11 = arith.constant 1 : i32
      scf.for %parallel_loop3A_226 = %parallel_loop3A to %parallel_loop3A_10 step %parallel_loop3A_11  : i32 {
        %parallel_loop3A_227 = arith.constant 0 : i32
        %parallel_loop3A_228 = vector.broadcast %parallel_loop3A_227 : i32 to vector<16xi32>
        %parallel_loop3A_229 = arith.constant 16 : i32
        %parallel_loop3A_230 = arith.muli %parallel_loop3A_226, %parallel_loop3A_229 : i32
        %parallel_loop3A_231 = arith.index_cast %parallel_loop3A_230 : i32 to index
        %parallel_loop3A_232 = tpu.vector_load %arg8[%parallel_loop3A_231] {strides = array<i32>} : memref<256xi32, #tpu.memory_space<vmem>>, vector<16xi32>,
        tpu.vector_store %arg8[%parallel_loop3A_231], %parallel_loop3A_228 {strides = array<i32>} : memref<256xi32, #tpu.memory_space<vmem>>, vector<16xi32>,
      } {sc.loop_unroll_factor = 1 : i64, sc.parallel_access}
      %add3A_12 = arith.constant 8192 : i32
      %add3A_13 = arith.constant 15 : i32
      %add3A_14 = arith.addi %add3A_12, %add3A_13 : i32
      %jit3A = arith.constant 16 : i32
      %div3A = arith.divsi %add3A_14, %jit3A : i32
      %sign3A = arith.constant 0 : i32
      %sign3A_15 = arith.cmpi sgt, %add3A_14, %sign3A : i32
      %sign3A_16 = arith.extui %sign3A_15 : i1 to i32
      %sign3A_17 = arith.constant 0 : i32
      %sign3A_18 = arith.cmpi slt, %add3A_14, %sign3A_17 : i32
      %sign3A_19 = arith.extui %sign3A_18 : i1 to i32
      %sign3A_20 = arith.subi %sign3A_16, %sign3A_19 : i32
      %sign3A_21 = arith.constant 0 : i32
      %sign3A_22 = arith.cmpi sgt, %jit3A, %sign3A_21 : i32
      %sign3A_23 = arith.extui %sign3A_22 : i1 to i32
      %sign3A_24 = arith.constant 0 : i32
      %sign3A_25 = arith.cmpi slt, %jit3A, %sign3A_24 : i32
      %sign3A_26 = arith.extui %sign3A_25 : i1 to i32
      %sign3A_27 = arith.subi %sign3A_23, %sign3A_26 : i32
      %ne3A = arith.cmpi ne, %sign3A_20, %sign3A_27 : i32
      %rem3A = arith.remsi %add3A_14, %jit3A : i32
      %ne3A_28 = arith.constant 0 : i32
      %ne3A_29 = arith.cmpi ne, %rem3A, %ne3A_28 : i32
      %and3A = arith.andi %ne3A, %ne3A_29 : i1
      %sub3A = arith.constant 1 : i32
      %sub3A_30 = arith.subi %div3A, %sub3A : i32
      %select_n3A = arith.select %and3A, %sub3A_30, %div3A : i32
      %parallel_loop3A_31 = arith.constant 0 : i32
      %parallel_loop3A_32 = arith.constant 1 : i32
      %parallel_loop3A_33 = arith.constant 8192 : i32
      scf.for %parallel_loop3A_226 = %parallel_loop3A_31 to %select_n3A step %parallel_loop3A_32  : i32 {
        %parallel_loop3A_227 = arith.constant 16 : i32
        %parallel_loop3A_228 = arith.muli %parallel_loop3A_226, %parallel_loop3A_227 : i32
        %parallel_loop3A_229 = arith.index_cast %parallel_loop3A_228 : i32 to index
        %parallel_loop3A_230 = tpu.vector_load %arg4[%parallel_loop3A_229] {strides = array<i32>} : memref<8192xf32, #tpu.memory_space<vmem>>, vector<16xf32>,
        %parallel_loop3A_231 = tpu.bitcast %parallel_loop3A_230 : vector<16xf32> -> vector<16xi32>
        %parallel_loop3A_232 = arith.constant 22 : i32
        %parallel_loop3A_233 = vector.broadcast %parallel_loop3A_232 : i32 to vector<16xi32>
        %parallel_loop3A_234 = arith.shrsi %parallel_loop3A_231, %parallel_loop3A_233 : vector<16xi32>
        %parallel_loop3A_235 = arith.constant 255 : i32
        %parallel_loop3A_236 = vector.broadcast %parallel_loop3A_235 : i32 to vector<16xi32>
        %parallel_loop3A_237 = arith.andi %parallel_loop3A_234, %parallel_loop3A_236 : vector<16xi32>
        %parallel_loop3A_238 = arith.constant 16 : i32
        %parallel_loop3A_239 = arith.muli %parallel_loop3A_226, %parallel_loop3A_238 : i32
        %parallel_loop3A_240 = vector.broadcast %parallel_loop3A_239 : i32 to vector<16xi32>
        %parallel_loop3A_241 = arith.addi %iota3A, %parallel_loop3A_240 : vector<16xi32>
        %parallel_loop3A_242 = vector.broadcast %parallel_loop3A_33 : i32 to vector<16xi32>
        %parallel_loop3A_243 = arith.cmpi slt, %parallel_loop3A_241, %parallel_loop3A_242 : vector<16xi32>
        tpu.vector_store_idx %arg8[%parallel_loop3A_237], %broadcast_in_dim3A_3 masked %parallel_loop3A_243 {add = true} : memref<256xi32, #tpu.memory_space<vmem>>[vector<16xi32>], vector<16xi32>, vector<16xi1>
      } {sc.loop_unroll_factor = 8 : i64, sc.parallel_access}
      %add3A_34 = arith.constant 8192 : i32
      %add3A_35 = vector.broadcast %add3A_34 : i32 to vector<16xi32>
      %add3A_36 = arith.addi %broadcast_in_dim3A_7, %add3A_35 : vector<16xi32>
      %sub3A_37 = arith.constant 4096 : i32
      %sub3A_38 = vector.broadcast %sub3A_37 : i32 to vector<16xi32>
      %sub3A_39 = arith.subi %add3A_36, %sub3A_38 : vector<16xi32>
      %broadcast_in_dim3A_40 = arith.constant 0 : i32
      %broadcast_in_dim3A_41 = vector.broadcast %broadcast_in_dim3A_40 : i32 to vector<16xi32>
      %broadcast_in_dim3A_42 = arith.constant 0 : i32
      %broadcast_in_dim3A_43 = vector.broadcast %broadcast_in_dim3A_42 : i32 to vector<16xi32>
      %broadcast_in_dim3A_44 = arith.constant 0 : i32
      %broadcast_in_dim3A_45 = vector.broadcast %broadcast_in_dim3A_44 : i32 to vector<16xi32>
      %parallel_loop3A_46 = arith.constant 0 : i32
      %parallel_loop3A_47 = arith.constant 16 : i32
      %parallel_loop3A_48 = arith.constant 1 : i32
      %parallel_loop3A_49:3 = scf.for %parallel_loop3A_226 = %parallel_loop3A_46 to %parallel_loop3A_47 step %parallel_loop3A_48 iter_args(%parallel_loop3A_227 = %broadcast_in_dim3A_41, %parallel_loop3A_228 = %broadcast_in_dim3A_43, %parallel_loop3A_229 = %broadcast_in_dim3A_45) -> (vector<16xi32>, vector<16xi32>, vector<16xi32>)  : i32 {
        %parallel_loop3A_230 = arith.constant 16 : i32
        %parallel_loop3A_231 = arith.muli %parallel_loop3A_226, %parallel_loop3A_230 : i32
        %parallel_loop3A_232 = arith.index_cast %parallel_loop3A_231 : i32 to index
        %parallel_loop3A_233 = tpu.vector_load %arg8[%parallel_loop3A_232] {strides = array<i32>} : memref<256xi32, #tpu.memory_space<vmem>>, vector<16xi32>,
        %parallel_loop3A_234 = arith.constant true
        %parallel_loop3A_235 = vector.broadcast %parallel_loop3A_234 : i1 to vector<16xi1>
        %parallel_loop3A_236 = tpu.scan <sum>, %parallel_loop3A_233 masked %parallel_loop3A_235 : vector<16xi32>, vector<16xi1> -> vector<16xi32>
        %parallel_loop3A_237 = arith.addi %parallel_loop3A_227, %parallel_loop3A_236 : vector<16xi32>
        %parallel_loop3A_238 = arith.cmpi sgt, %parallel_loop3A_237, %sub3A_39 : vector<16xi32>
        %parallel_loop3A_239 = tpu.all_reduce %parallel_loop3A_238 {dim = 0 : i64, kind = #tpu.reduction_kind<find_first_set>} : vector<16xi1> -> vector<16xi32>
        %parallel_loop3A_240 = arith.constant 16 : i32
        %parallel_loop3A_241 = vector.broadcast %parallel_loop3A_240 : i32 to vector<16xi32>
        %parallel_loop3A_242 = arith.cmpi slt, %parallel_loop3A_239, %parallel_loop3A_241 : vector<16xi32>
        %parallel_loop3A_243 = arith.constant 0 : i32
        %parallel_loop3A_244 = vector.broadcast %parallel_loop3A_243 : i32 to vector<16xi32>
        %parallel_loop3A_245 = arith.cmpi sgt, %parallel_loop3A_229, %parallel_loop3A_244 : vector<16xi32>
        %parallel_loop3A_246 = arith.constant dense<true> : vector<16xi1>
        %parallel_loop3A_247 = arith.xori %parallel_loop3A_242, %parallel_loop3A_246 : vector<16xi1>
        %parallel_loop3A_248 = arith.ori %parallel_loop3A_245, %parallel_loop3A_247 : vector<16xi1>
        %parallel_loop3A_249 = arith.constant 16 : i32
        %parallel_loop3A_250 = arith.muli %parallel_loop3A_226, %parallel_loop3A_249 : i32
        %parallel_loop3A_251 = vector.broadcast %parallel_loop3A_250 : i32 to vector<16xi32>
        %parallel_loop3A_252 = arith.addi %parallel_loop3A_251, %parallel_loop3A_239 : vector<16xi32>
        %parallel_loop3A_253 = arith.select %parallel_loop3A_248, %parallel_loop3A_228, %parallel_loop3A_252 : vector<16xi1>, vector<16xi32>
        %parallel_loop3A_254 = vector.extract_strided_slice %parallel_loop3A_236 {offsets = [15], sizes = [1], strides = [1]} : vector<16xi32> to vector<1xi32>
        %parallel_loop3A_255 = vector.extract %parallel_loop3A_254[0] : i32 from vector<1xi32>
        %parallel_loop3A_256 = vector.broadcast %parallel_loop3A_255 : i32 to vector<16xi32>
        %parallel_loop3A_257 = arith.addi %parallel_loop3A_227, %parallel_loop3A_256 : vector<16xi32>
        %parallel_loop3A_258 = arith.extui %parallel_loop3A_242 : vector<16xi1> to vector<16xi32>
        %parallel_loop3A_259 = arith.ori %parallel_loop3A_229, %parallel_loop3A_258 : vector<16xi32>
        scf.yield %parallel_loop3A_257, %parallel_loop3A_253, %parallel_loop3A_259 : vector<16xi32>, vector<16xi32>, vector<16xi32>
      } {sc.loop_unroll_factor = 1 : i64, sc.parallel_access}
      %parallel_loop3A_50 = arith.constant 0 : i32
      %parallel_loop3A_51 = arith.constant 1 : i32
      %parallel_loop3A_52 = arith.constant 8192 : i32
      %parallel_loop3A_53 = arith.constant 0 : i32
      %parallel_loop3A_54:2 = scf.for %parallel_loop3A_226 = %parallel_loop3A_50 to %select_n3A step %parallel_loop3A_51 iter_args(%parallel_loop3A_227 = %parallel_loop3A_53, %parallel_loop3A_228 = %broadcast_in_dim3A_7) -> (i32, vector<16xi32>)  : i32 {
        %parallel_loop3A_229 = arith.constant 16 : i32
        %parallel_loop3A_230 = arith.muli %parallel_loop3A_226, %parallel_loop3A_229 : i32
        %parallel_loop3A_231 = arith.index_cast %parallel_loop3A_230 : i32 to index
        %parallel_loop3A_232 = tpu.vector_load %arg4[%parallel_loop3A_231] {strides = array<i32>} : memref<8192xf32, #tpu.memory_space<vmem>>, vector<16xf32>,
        %parallel_loop3A_233 = tpu.bitcast %parallel_loop3A_232 : vector<16xf32> -> vector<16xi32>
        %parallel_loop3A_234 = arith.constant 22 : i32
        %parallel_loop3A_235 = vector.broadcast %parallel_loop3A_234 : i32 to vector<16xi32>
        %parallel_loop3A_236 = arith.shrsi %parallel_loop3A_233, %parallel_loop3A_235 : vector<16xi32>
        %parallel_loop3A_237 = arith.constant 255 : i32
        %parallel_loop3A_238 = vector.broadcast %parallel_loop3A_237 : i32 to vector<16xi32>
        %parallel_loop3A_239 = arith.andi %parallel_loop3A_236, %parallel_loop3A_238 : vector<16xi32>
        %parallel_loop3A_240 = arith.constant 16 : i32
        %parallel_loop3A_241 = arith.muli %parallel_loop3A_226, %parallel_loop3A_240 : i32
        %parallel_loop3A_242 = vector.broadcast %parallel_loop3A_241 : i32 to vector<16xi32>
        %parallel_loop3A_243 = arith.addi %iota3A, %parallel_loop3A_242 : vector<16xi32>
        %parallel_loop3A_244 = vector.broadcast %parallel_loop3A_52 : i32 to vector<16xi32>
        %parallel_loop3A_245 = arith.cmpi slt, %parallel_loop3A_243, %parallel_loop3A_244 : vector<16xi32>
        %parallel_loop3A_246 = arith.cmpi sgt, %parallel_loop3A_239, %parallel_loop3A_49#1 : vector<16xi32>
        %parallel_loop3A_247 = arith.andi %parallel_loop3A_246, %parallel_loop3A_245 : vector<16xi1>
        %parallel_loop3A_248 = arith.cmpi eq, %parallel_loop3A_239, %parallel_loop3A_49#1 : vector<16xi32>
        %parallel_loop3A_249 = arith.andi %parallel_loop3A_248, %parallel_loop3A_245 : vector<16xi1>
        %parallel_loop3A_250 = arith.index_cast %parallel_loop3A_227 : i32 to index
        %parallel_loop3A_251 = tpu.vector_load %arg6[%parallel_loop3A_250] masked %parallel_loop3A_249 {strides = array<i32>} : memref<8208xi32, #tpu.memory_space<vmem>>, vector<16xi32>, vector<16xi1>
        tpu.vector_store %arg6[%parallel_loop3A_250], %parallel_loop3A_233 masked %parallel_loop3A_249 {strides = array<i32>} : memref<8208xi32, #tpu.memory_space<vmem>>, vector<16xi32>, vector<16xi1>
        %parallel_loop3A_252 = tpu.all_reduce %parallel_loop3A_249 {dim = 0 : i64, kind = #tpu.reduction_kind<sum>} : vector<16xi1> -> vector<16xi32>
        %parallel_loop3A_253 = vector.extract_strided_slice %parallel_loop3A_252 {offsets = [0], sizes = [1], strides = [1]} : vector<16xi32> to vector<1xi32>
        %parallel_loop3A_254 = vector.extract %parallel_loop3A_253[0] : i32 from vector<1xi32>
        %parallel_loop3A_255 = arith.addi %parallel_loop3A_227, %parallel_loop3A_254 : i32
        %parallel_loop3A_256 = tpu.all_reduce %parallel_loop3A_247 {dim = 0 : i64, kind = #tpu.reduction_kind<sum>} : vector<16xi1> -> vector<16xi32>
        %parallel_loop3A_257 = arith.addi %parallel_loop3A_228, %parallel_loop3A_256 : vector<16xi32>
        scf.yield %parallel_loop3A_255, %parallel_loop3A_257 : i32, vector<16xi32>
      } {sc.loop_unroll_factor = 2 : i64, sc.parallel_access}
      %shift_left3A = arith.constant 22 : i32
      %shift_left3A_55 = vector.broadcast %shift_left3A : i32 to vector<16xi32>
      %shift_left3A_56 = arith.shli %parallel_loop3A_49#1, %shift_left3A_55 : vector<16xi32>
      %or3A = arith.ori %broadcast_in_dim3A_9, %shift_left3A_56 : vector<16xi32>
      %parallel_loop3A_57 = arith.constant 0 : i32
      %parallel_loop3A_58 = arith.constant 16 : i32
      %parallel_loop3A_59 = arith.constant 1 : i32
      scf.for %parallel_loop3A_226 = %parallel_loop3A_57 to %parallel_loop3A_58 step %parallel_loop3A_59  : i32 {
        %parallel_loop3A_227 = arith.constant 0 : i32
        %parallel_loop3A_228 = vector.broadcast %parallel_loop3A_227 : i32 to vector<16xi32>
        %parallel_loop3A_229 = arith.constant 16 : i32
        %parallel_loop3A_230 = arith.muli %parallel_loop3A_226, %parallel_loop3A_229 : i32
        %parallel_loop3A_231 = arith.index_cast %parallel_loop3A_230 : i32 to index
        %parallel_loop3A_232 = tpu.vector_load %arg8[%parallel_loop3A_231] {strides = array<i32>} : memref<256xi32, #tpu.memory_space<vmem>>, vector<16xi32>,
        tpu.vector_store %arg8[%parallel_loop3A_231], %parallel_loop3A_228 {strides = array<i32>} : memref<256xi32, #tpu.memory_space<vmem>>, vector<16xi32>,
      } {sc.loop_unroll_factor = 1 : i64, sc.parallel_access}
      %add3A_60 = arith.constant 15 : i32
      %add3A_61 = arith.addi %parallel_loop3A_54#0, %add3A_60 : i32
      %jit3A_62 = arith.constant 16 : i32
      %div3A_63 = arith.divsi %add3A_61, %jit3A_62 : i32
      %sign3A_64 = arith.constant 0 : i32
      %sign3A_65 = arith.cmpi sgt, %add3A_61, %sign3A_64 : i32
      %sign3A_66 = arith.extui %sign3A_65 : i1 to i32
      %sign3A_67 = arith.constant 0 : i32
      %sign3A_68 = arith.cmpi slt, %add3A_61, %sign3A_67 : i32
      %sign3A_69 = arith.extui %sign3A_68 : i1 to i32
      %sign3A_70 = arith.subi %sign3A_66, %sign3A_69 : i32
      %sign3A_71 = arith.constant 0 : i32
      %sign3A_72 = arith.cmpi sgt, %jit3A_62, %sign3A_71 : i32
      %sign3A_73 = arith.extui %sign3A_72 : i1 to i32
      %sign3A_74 = arith.constant 0 : i32
      %sign3A_75 = arith.cmpi slt, %jit3A_62, %sign3A_74 : i32
      %sign3A_76 = arith.extui %sign3A_75 : i1 to i32
      %sign3A_77 = arith.subi %sign3A_73, %sign3A_76 : i32
      %ne3A_78 = arith.cmpi ne, %sign3A_70, %sign3A_77 : i32
      %rem3A_79 = arith.remsi %add3A_61, %jit3A_62 : i32
      %ne3A_80 = arith.constant 0 : i32
      %ne3A_81 = arith.cmpi ne, %rem3A_79, %ne3A_80 : i32
      %and3A_82 = arith.andi %ne3A_78, %ne3A_81 : i1
      %sub3A_83 = arith.constant 1 : i32
      %sub3A_84 = arith.subi %div3A_63, %sub3A_83 : i32
      %select_n3A_85 = arith.select %and3A_82, %sub3A_84, %div3A_63 : i32
      %parallel_loop3A_86 = arith.constant 0 : i32
      %parallel_loop3A_87 = arith.constant 1 : i32
      scf.for %parallel_loop3A_226 = %parallel_loop3A_86 to %select_n3A_85 step %parallel_loop3A_87  : i32 {
        %parallel_loop3A_227 = arith.constant 16 : i32
        %parallel_loop3A_228 = arith.muli %parallel_loop3A_226, %parallel_loop3A_227 : i32
        %parallel_loop3A_229 = arith.index_cast %parallel_loop3A_228 : i32 to index
        %parallel_loop3A_230 = tpu.vector_load %arg6[%parallel_loop3A_229] {strides = array<i32>} : memref<8208xi32, #tpu.memory_space<vmem>>, vector<16xi32>,
        %parallel_loop3A_231 = arith.constant 14 : i32
        %parallel_loop3A_232 = vector.broadcast %parallel_loop3A_231 : i32 to vector<16xi32>
        %parallel_loop3A_233 = arith.shrsi %parallel_loop3A_230, %parallel_loop3A_232 : vector<16xi32>
        %parallel_loop3A_234 = arith.constant 255 : i32
        %parallel_loop3A_235 = vector.broadcast %parallel_loop3A_234 : i32 to vector<16xi32>
        %parallel_loop3A_236 = arith.andi %parallel_loop3A_233, %parallel_loop3A_235 : vector<16xi32>
        %parallel_loop3A_237 = arith.constant 16 : i32
        %parallel_loop3A_238 = arith.muli %parallel_loop3A_226, %parallel_loop3A_237 : i32
        %parallel_loop3A_239 = vector.broadcast %parallel_loop3A_238 : i32 to vector<16xi32>
        %parallel_loop3A_240 = arith.addi %iota3A, %parallel_loop3A_239 : vector<16xi32>
        %parallel_loop3A_241 = vector.broadcast %parallel_loop3A_54#0 : i32 to vector<16xi32>
        %parallel_loop3A_242 = arith.cmpi slt, %parallel_loop3A_240, %parallel_loop3A_241 : vector<16xi32>
        tpu.vector_store_idx %arg8[%parallel_loop3A_236], %broadcast_in_dim3A_3 masked %parallel_loop3A_242 {add = true} : memref<256xi32, #tpu.memory_space<vmem>>[vector<16xi32>], vector<16xi32>, vector<16xi1>
      } {sc.loop_unroll_factor = 8 : i64, sc.parallel_access}
      %add3A_88 = vector.broadcast %parallel_loop3A_54#0 : i32 to vector<16xi32>
      %add3A_89 = arith.addi %parallel_loop3A_54#1, %add3A_88 : vector<16xi32>
      %sub3A_90 = arith.constant 4096 : i32
      %sub3A_91 = vector.broadcast %sub3A_90 : i32 to vector<16xi32>
      %sub3A_92 = arith.subi %add3A_89, %sub3A_91 : vector<16xi32>
      %broadcast_in_dim3A_93 = arith.constant 0 : i32
      %broadcast_in_dim3A_94 = vector.broadcast %broadcast_in_dim3A_93 : i32 to vector<16xi32>
      %broadcast_in_dim3A_95 = arith.constant 0 : i32
      %broadcast_in_dim3A_96 = vector.broadcast %broadcast_in_dim3A_95 : i32 to vector<16xi32>
      %broadcast_in_dim3A_97 = arith.constant 0 : i32
      %broadcast_in_dim3A_98 = vector.broadcast %broadcast_in_dim3A_97 : i32 to vector<16xi32>
      %parallel_loop3A_99 = arith.constant 0 : i32
      %parallel_loop3A_100 = arith.constant 16 : i32
      %parallel_loop3A_101 = arith.constant 1 : i32
      %parallel_loop3A_102:3 = scf.for %parallel_loop3A_226 = %parallel_loop3A_99 to %parallel_loop3A_100 step %parallel_loop3A_101 iter_args(%parallel_loop3A_227 = %broadcast_in_dim3A_94, %parallel_loop3A_228 = %broadcast_in_dim3A_96, %parallel_loop3A_229 = %broadcast_in_dim3A_98) -> (vector<16xi32>, vector<16xi32>, vector<16xi32>)  : i32 {
        %parallel_loop3A_230 = arith.constant 16 : i32
        %parallel_loop3A_231 = arith.muli %parallel_loop3A_226, %parallel_loop3A_230 : i32
        %parallel_loop3A_232 = arith.index_cast %parallel_loop3A_231 : i32 to index
        %parallel_loop3A_233 = tpu.vector_load %arg8[%parallel_loop3A_232] {strides = array<i32>} : memref<256xi32, #tpu.memory_space<vmem>>, vector<16xi32>,
        %parallel_loop3A_234 = arith.constant true
        %parallel_loop3A_235 = vector.broadcast %parallel_loop3A_234 : i1 to vector<16xi1>
        %parallel_loop3A_236 = tpu.scan <sum>, %parallel_loop3A_233 masked %parallel_loop3A_235 : vector<16xi32>, vector<16xi1> -> vector<16xi32>
        %parallel_loop3A_237 = arith.addi %parallel_loop3A_227, %parallel_loop3A_236 : vector<16xi32>
        %parallel_loop3A_238 = arith.cmpi sgt, %parallel_loop3A_237, %sub3A_92 : vector<16xi32>
        %parallel_loop3A_239 = tpu.all_reduce %parallel_loop3A_238 {dim = 0 : i64, kind = #tpu.reduction_kind<find_first_set>} : vector<16xi1> -> vector<16xi32>
        %parallel_loop3A_240 = arith.constant 16 : i32
        %parallel_loop3A_241 = vector.broadcast %parallel_loop3A_240 : i32 to vector<16xi32>
        %parallel_loop3A_242 = arith.cmpi slt, %parallel_loop3A_239, %parallel_loop3A_241 : vector<16xi32>
        %parallel_loop3A_243 = arith.constant 0 : i32
        %parallel_loop3A_244 = vector.broadcast %parallel_loop3A_243 : i32 to vector<16xi32>
        %parallel_loop3A_245 = arith.cmpi sgt, %parallel_loop3A_229, %parallel_loop3A_244 : vector<16xi32>
        %parallel_loop3A_246 = arith.constant dense<true> : vector<16xi1>
        %parallel_loop3A_247 = arith.xori %parallel_loop3A_242, %parallel_loop3A_246 : vector<16xi1>
        %parallel_loop3A_248 = arith.ori %parallel_loop3A_245, %parallel_loop3A_247 : vector<16xi1>
        %parallel_loop3A_249 = arith.constant 16 : i32
        %parallel_loop3A_250 = arith.muli %parallel_loop3A_226, %parallel_loop3A_249 : i32
        %parallel_loop3A_251 = vector.broadcast %parallel_loop3A_250 : i32 to vector<16xi32>
        %parallel_loop3A_252 = arith.addi %parallel_loop3A_251, %parallel_loop3A_239 : vector<16xi32>
        %parallel_loop3A_253 = arith.select %parallel_loop3A_248, %parallel_loop3A_228, %parallel_loop3A_252 : vector<16xi1>, vector<16xi32>
        %parallel_loop3A_254 = vector.extract_strided_slice %parallel_loop3A_236 {offsets = [15], sizes = [1], strides = [1]} : vector<16xi32> to vector<1xi32>
        %parallel_loop3A_255 = vector.extract %parallel_loop3A_254[0] : i32 from vector<1xi32>
        %parallel_loop3A_256 = vector.broadcast %parallel_loop3A_255 : i32 to vector<16xi32>
        %parallel_loop3A_257 = arith.addi %parallel_loop3A_227, %parallel_loop3A_256 : vector<16xi32>
        %parallel_loop3A_258 = arith.extui %parallel_loop3A_242 : vector<16xi1> to vector<16xi32>
        %parallel_loop3A_259 = arith.ori %parallel_loop3A_229, %parallel_loop3A_258 : vector<16xi32>
        scf.yield %parallel_loop3A_257, %parallel_loop3A_253, %parallel_loop3A_259 : vector<16xi32>, vector<16xi32>, vector<16xi32>
      } {sc.loop_unroll_factor = 1 : i64, sc.parallel_access}
      %parallel_loop3A_103 = arith.constant 0 : i32
      %parallel_loop3A_104 = arith.constant 1 : i32
      %parallel_loop3A_105 = arith.constant 0 : i32
      %parallel_loop3A_106:2 = scf.for %parallel_loop3A_226 = %parallel_loop3A_103 to %select_n3A_85 step %parallel_loop3A_104 iter_args(%parallel_loop3A_227 = %parallel_loop3A_105, %parallel_loop3A_228 = %parallel_loop3A_54#1) -> (i32, vector<16xi32>)  : i32 {
        %parallel_loop3A_229 = arith.constant 16 : i32
        %parallel_loop3A_230 = arith.muli %parallel_loop3A_226, %parallel_loop3A_229 : i32
        %parallel_loop3A_231 = arith.index_cast %parallel_loop3A_230 : i32 to index
        %parallel_loop3A_232 = tpu.vector_load %arg6[%parallel_loop3A_231] {strides = array<i32>} : memref<8208xi32, #tpu.memory_space<vmem>>, vector<16xi32>,
        %parallel_loop3A_233 = arith.constant 14 : i32
        %parallel_loop3A_234 = vector.broadcast %parallel_loop3A_233 : i32 to vector<16xi32>
        %parallel_loop3A_235 = arith.shrsi %parallel_loop3A_232, %parallel_loop3A_234 : vector<16xi32>
        %parallel_loop3A_236 = arith.constant 255 : i32
        %parallel_loop3A_237 = vector.broadcast %parallel_loop3A_236 : i32 to vector<16xi32>
        %parallel_loop3A_238 = arith.andi %parallel_loop3A_235, %parallel_loop3A_237 : vector<16xi32>
        %parallel_loop3A_239 = arith.constant 16 : i32
        %parallel_loop3A_240 = arith.muli %parallel_loop3A_226, %parallel_loop3A_239 : i32
        %parallel_loop3A_241 = vector.broadcast %parallel_loop3A_240 : i32 to vector<16xi32>
        %parallel_loop3A_242 = arith.addi %iota3A, %parallel_loop3A_241 : vector<16xi32>
        %parallel_loop3A_243 = vector.broadcast %parallel_loop3A_54#0 : i32 to vector<16xi32>
        %parallel_loop3A_244 = arith.cmpi slt, %parallel_loop3A_242, %parallel_loop3A_243 : vector<16xi32>
        %parallel_loop3A_245 = arith.cmpi sgt, %parallel_loop3A_238, %parallel_loop3A_102#1 : vector<16xi32>
        %parallel_loop3A_246 = arith.andi %parallel_loop3A_245, %parallel_loop3A_244 : vector<16xi1>
        %parallel_loop3A_247 = arith.cmpi eq, %parallel_loop3A_238, %parallel_loop3A_102#1 : vector<16xi32>
        %parallel_loop3A_248 = arith.andi %parallel_loop3A_247, %parallel_loop3A_244 : vector<16xi1>
        %parallel_loop3A_249 = arith.index_cast %parallel_loop3A_227 : i32 to index
        %parallel_loop3A_250 = tpu.vector_load %arg7[%parallel_loop3A_249] masked %parallel_loop3A_248 {strides = array<i32>} : memref<8208xi32, #tpu.memory_space<vmem>>, vector<16xi32>, vector<16xi1>
        tpu.vector_store %arg7[%parallel_loop3A_249], %parallel_loop3A_232 masked %parallel_loop3A_248 {strides = array<i32>} : memref<8208xi32, #tpu.memory_space<vmem>>, vector<16xi32>, vector<16xi1>
        %parallel_loop3A_251 = tpu.all_reduce %parallel_loop3A_248 {dim = 0 : i64, kind = #tpu.reduction_kind<sum>} : vector<16xi1> -> vector<16xi32>
        %parallel_loop3A_252 = vector.extract_strided_slice %parallel_loop3A_251 {offsets = [0], sizes = [1], strides = [1]} : vector<16xi32> to vector<1xi32>
        %parallel_loop3A_253 = vector.extract %parallel_loop3A_252[0] : i32 from vector<1xi32>
        %parallel_loop3A_254 = arith.addi %parallel_loop3A_227, %parallel_loop3A_253 : i32
        %parallel_loop3A_255 = tpu.all_reduce %parallel_loop3A_246 {dim = 0 : i64, kind = #tpu.reduction_kind<sum>} : vector<16xi1> -> vector<16xi32>
        %parallel_loop3A_256 = arith.addi %parallel_loop3A_228, %parallel_loop3A_255 : vector<16xi32>
        scf.yield %parallel_loop3A_254, %parallel_loop3A_256 : i32, vector<16xi32>
      } {sc.loop_unroll_factor = 2 : i64, sc.parallel_access}
      %shift_left3A_107 = arith.constant 14 : i32
      %shift_left3A_108 = vector.broadcast %shift_left3A_107 : i32 to vector<16xi32>
      %shift_left3A_109 = arith.shli %parallel_loop3A_102#1, %shift_left3A_108 : vector<16xi32>
      %or3A_110 = arith.ori %or3A, %shift_left3A_109 : vector<16xi32>
      %parallel_loop3A_111 = arith.constant 0 : i32
      %parallel_loop3A_112 = arith.constant 16 : i32
      %parallel_loop3A_113 = arith.constant 1 : i32
      scf.for %parallel_loop3A_226 = %parallel_loop3A_111 to %parallel_loop3A_112 step %parallel_loop3A_113  : i32 {
        %parallel_loop3A_227 = arith.constant 0 : i32
        %parallel_loop3A_228 = vector.broadcast %parallel_loop3A_227 : i32 to vector<16xi32>
        %parallel_loop3A_229 = arith.constant 16 : i32
        %parallel_loop3A_230 = arith.muli %parallel_loop3A_226, %parallel_loop3A_229 : i32
        %parallel_loop3A_231 = arith.index_cast %parallel_loop3A_230 : i32 to index
        %parallel_loop3A_232 = tpu.vector_load %arg8[%parallel_loop3A_231] {strides = array<i32>} : memref<256xi32, #tpu.memory_space<vmem>>, vector<16xi32>,
        tpu.vector_store %arg8[%parallel_loop3A_231], %parallel_loop3A_228 {strides = array<i32>} : memref<256xi32, #tpu.memory_space<vmem>>, vector<16xi32>,
      } {sc.loop_unroll_factor = 1 : i64, sc.parallel_access}
      %add3A_114 = arith.constant 15 : i32
      %add3A_115 = arith.addi %parallel_loop3A_106#0, %add3A_114 : i32
      %jit3A_116 = arith.constant 16 : i32
      %div3A_117 = arith.divsi %add3A_115, %jit3A_116 : i32
      %sign3A_118 = arith.constant 0 : i32
      %sign3A_119 = arith.cmpi sgt, %add3A_115, %sign3A_118 : i32
      %sign3A_120 = arith.extui %sign3A_119 : i1 to i32
      %sign3A_121 = arith.constant 0 : i32
      %sign3A_122 = arith.cmpi slt, %add3A_115, %sign3A_121 : i32
      %sign3A_123 = arith.extui %sign3A_122 : i1 to i32
      %sign3A_124 = arith.subi %sign3A_120, %sign3A_123 : i32
      %sign3A_125 = arith.constant 0 : i32
      %sign3A_126 = arith.cmpi sgt, %jit3A_116, %sign3A_125 : i32
      %sign3A_127 = arith.extui %sign3A_126 : i1 to i32
      %sign3A_128 = arith.constant 0 : i32
      %sign3A_129 = arith.cmpi slt, %jit3A_116, %sign3A_128 : i32
      %sign3A_130 = arith.extui %sign3A_129 : i1 to i32
      %sign3A_131 = arith.subi %sign3A_127, %sign3A_130 : i32
      %ne3A_132 = arith.cmpi ne, %sign3A_124, %sign3A_131 : i32
      %rem3A_133 = arith.remsi %add3A_115, %jit3A_116 : i32
      %ne3A_134 = arith.constant 0 : i32
      %ne3A_135 = arith.cmpi ne, %rem3A_133, %ne3A_134 : i32
      %and3A_136 = arith.andi %ne3A_132, %ne3A_135 : i1
      %sub3A_137 = arith.constant 1 : i32
      %sub3A_138 = arith.subi %div3A_117, %sub3A_137 : i32
      %select_n3A_139 = arith.select %and3A_136, %sub3A_138, %div3A_117 : i32
      %parallel_loop3A_140 = arith.constant 0 : i32
      %parallel_loop3A_141 = arith.constant 1 : i32
      scf.for %parallel_loop3A_226 = %parallel_loop3A_140 to %select_n3A_139 step %parallel_loop3A_141  : i32 {
        %parallel_loop3A_227 = arith.constant 16 : i32
        %parallel_loop3A_228 = arith.muli %parallel_loop3A_226, %parallel_loop3A_227 : i32
        %parallel_loop3A_229 = arith.index_cast %parallel_loop3A_228 : i32 to index
        %parallel_loop3A_230 = tpu.vector_load %arg7[%parallel_loop3A_229] {strides = array<i32>} : memref<8208xi32, #tpu.memory_space<vmem>>, vector<16xi32>,
        %parallel_loop3A_231 = arith.constant 6 : i32
        %parallel_loop3A_232 = vector.broadcast %parallel_loop3A_231 : i32 to vector<16xi32>
        %parallel_loop3A_233 = arith.shrsi %parallel_loop3A_230, %parallel_loop3A_232 : vector<16xi32>
        %parallel_loop3A_234 = arith.constant 255 : i32
        %parallel_loop3A_235 = vector.broadcast %parallel_loop3A_234 : i32 to vector<16xi32>
        %parallel_loop3A_236 = arith.andi %parallel_loop3A_233, %parallel_loop3A_235 : vector<16xi32>
        %parallel_loop3A_237 = arith.constant 16 : i32
        %parallel_loop3A_238 = arith.muli %parallel_loop3A_226, %parallel_loop3A_237 : i32
        %parallel_loop3A_239 = vector.broadcast %parallel_loop3A_238 : i32 to vector<16xi32>
        %parallel_loop3A_240 = arith.addi %iota3A, %parallel_loop3A_239 : vector<16xi32>
        %parallel_loop3A_241 = vector.broadcast %parallel_loop3A_106#0 : i32 to vector<16xi32>
        %parallel_loop3A_242 = arith.cmpi slt, %parallel_loop3A_240, %parallel_loop3A_241 : vector<16xi32>
        tpu.vector_store_idx %arg8[%parallel_loop3A_236], %broadcast_in_dim3A_3 masked %parallel_loop3A_242 {add = true} : memref<256xi32, #tpu.memory_space<vmem>>[vector<16xi32>], vector<16xi32>, vector<16xi1>
      } {sc.loop_unroll_factor = 8 : i64, sc.parallel_access}
      %add3A_142 = vector.broadcast %parallel_loop3A_106#0 : i32 to vector<16xi32>
      %add3A_143 = arith.addi %parallel_loop3A_106#1, %add3A_142 : vector<16xi32>
      %sub3A_144 = arith.constant 4096 : i32
      %sub3A_145 = vector.broadcast %sub3A_144 : i32 to vector<16xi32>
      %sub3A_146 = arith.subi %add3A_143, %sub3A_145 : vector<16xi32>
      %broadcast_in_dim3A_147 = arith.constant 0 : i32
      %broadcast_in_dim3A_148 = vector.broadcast %broadcast_in_dim3A_147 : i32 to vector<16xi32>
      %broadcast_in_dim3A_149 = arith.constant 0 : i32
      %broadcast_in_dim3A_150 = vector.broadcast %broadcast_in_dim3A_149 : i32 to vector<16xi32>
      %broadcast_in_dim3A_151 = arith.constant 0 : i32
      %broadcast_in_dim3A_152 = vector.broadcast %broadcast_in_dim3A_151 : i32 to vector<16xi32>
      %parallel_loop3A_153 = arith.constant 0 : i32
      %parallel_loop3A_154 = arith.constant 16 : i32
      %parallel_loop3A_155 = arith.constant 1 : i32
      %parallel_loop3A_156:3 = scf.for %parallel_loop3A_226 = %parallel_loop3A_153 to %parallel_loop3A_154 step %parallel_loop3A_155 iter_args(%parallel_loop3A_227 = %broadcast_in_dim3A_148, %parallel_loop3A_228 = %broadcast_in_dim3A_150, %parallel_loop3A_229 = %broadcast_in_dim3A_152) -> (vector<16xi32>, vector<16xi32>, vector<16xi32>)  : i32 {
        %parallel_loop3A_230 = arith.constant 16 : i32
        %parallel_loop3A_231 = arith.muli %parallel_loop3A_226, %parallel_loop3A_230 : i32
        %parallel_loop3A_232 = arith.index_cast %parallel_loop3A_231 : i32 to index
        %parallel_loop3A_233 = tpu.vector_load %arg8[%parallel_loop3A_232] {strides = array<i32>} : memref<256xi32, #tpu.memory_space<vmem>>, vector<16xi32>,
        %parallel_loop3A_234 = arith.constant true
        %parallel_loop3A_235 = vector.broadcast %parallel_loop3A_234 : i1 to vector<16xi1>
        %parallel_loop3A_236 = tpu.scan <sum>, %parallel_loop3A_233 masked %parallel_loop3A_235 : vector<16xi32>, vector<16xi1> -> vector<16xi32>
        %parallel_loop3A_237 = arith.addi %parallel_loop3A_227, %parallel_loop3A_236 : vector<16xi32>
        %parallel_loop3A_238 = arith.cmpi sgt, %parallel_loop3A_237, %sub3A_146 : vector<16xi32>
        %parallel_loop3A_239 = tpu.all_reduce %parallel_loop3A_238 {dim = 0 : i64, kind = #tpu.reduction_kind<find_first_set>} : vector<16xi1> -> vector<16xi32>
        %parallel_loop3A_240 = arith.constant 16 : i32
        %parallel_loop3A_241 = vector.broadcast %parallel_loop3A_240 : i32 to vector<16xi32>
        %parallel_loop3A_242 = arith.cmpi slt, %parallel_loop3A_239, %parallel_loop3A_241 : vector<16xi32>
        %parallel_loop3A_243 = arith.constant 0 : i32
        %parallel_loop3A_244 = vector.broadcast %parallel_loop3A_243 : i32 to vector<16xi32>
        %parallel_loop3A_245 = arith.cmpi sgt, %parallel_loop3A_229, %parallel_loop3A_244 : vector<16xi32>
        %parallel_loop3A_246 = arith.constant dense<true> : vector<16xi1>
        %parallel_loop3A_247 = arith.xori %parallel_loop3A_242, %parallel_loop3A_246 : vector<16xi1>
        %parallel_loop3A_248 = arith.ori %parallel_loop3A_245, %parallel_loop3A_247 : vector<16xi1>
        %parallel_loop3A_249 = arith.constant 16 : i32
        %parallel_loop3A_250 = arith.muli %parallel_loop3A_226, %parallel_loop3A_249 : i32
        %parallel_loop3A_251 = vector.broadcast %parallel_loop3A_250 : i32 to vector<16xi32>
        %parallel_loop3A_252 = arith.addi %parallel_loop3A_251, %parallel_loop3A_239 : vector<16xi32>
        %parallel_loop3A_253 = arith.select %parallel_loop3A_248, %parallel_loop3A_228, %parallel_loop3A_252 : vector<16xi1>, vector<16xi32>
        %parallel_loop3A_254 = vector.extract_strided_slice %parallel_loop3A_236 {offsets = [15], sizes = [1], strides = [1]} : vector<16xi32> to vector<1xi32>
        %parallel_loop3A_255 = vector.extract %parallel_loop3A_254[0] : i32 from vector<1xi32>
        %parallel_loop3A_256 = vector.broadcast %parallel_loop3A_255 : i32 to vector<16xi32>
        %parallel_loop3A_257 = arith.addi %parallel_loop3A_227, %parallel_loop3A_256 : vector<16xi32>
        %parallel_loop3A_258 = arith.extui %parallel_loop3A_242 : vector<16xi1> to vector<16xi32>
        %parallel_loop3A_259 = arith.ori %parallel_loop3A_229, %parallel_loop3A_258 : vector<16xi32>
        scf.yield %parallel_loop3A_257, %parallel_loop3A_253, %parallel_loop3A_259 : vector<16xi32>, vector<16xi32>, vector<16xi32>
      } {sc.loop_unroll_factor = 1 : i64, sc.parallel_access}
      %parallel_loop3A_157 = arith.constant 0 : i32
      %parallel_loop3A_158 = arith.constant 1 : i32
      %parallel_loop3A_159 = arith.constant 0 : i32
      %parallel_loop3A_160:2 = scf.for %parallel_loop3A_226 = %parallel_loop3A_157 to %select_n3A_139 step %parallel_loop3A_158 iter_args(%parallel_loop3A_227 = %parallel_loop3A_159, %parallel_loop3A_228 = %parallel_loop3A_106#1) -> (i32, vector<16xi32>)  : i32 {
        %parallel_loop3A_229 = arith.constant 16 : i32
        %parallel_loop3A_230 = arith.muli %parallel_loop3A_226, %parallel_loop3A_229 : i32
        %parallel_loop3A_231 = arith.index_cast %parallel_loop3A_230 : i32 to index
        %parallel_loop3A_232 = tpu.vector_load %arg7[%parallel_loop3A_231] {strides = array<i32>} : memref<8208xi32, #tpu.memory_space<vmem>>, vector<16xi32>,
        %parallel_loop3A_233 = arith.constant 6 : i32
        %parallel_loop3A_234 = vector.broadcast %parallel_loop3A_233 : i32 to vector<16xi32>
        %parallel_loop3A_235 = arith.shrsi %parallel_loop3A_232, %parallel_loop3A_234 : vector<16xi32>
        %parallel_loop3A_236 = arith.constant 255 : i32
        %parallel_loop3A_237 = vector.broadcast %parallel_loop3A_236 : i32 to vector<16xi32>
        %parallel_loop3A_238 = arith.andi %parallel_loop3A_235, %parallel_loop3A_237 : vector<16xi32>
        %parallel_loop3A_239 = arith.constant 16 : i32
        %parallel_loop3A_240 = arith.muli %parallel_loop3A_226, %parallel_loop3A_239 : i32
        %parallel_loop3A_241 = vector.broadcast %parallel_loop3A_240 : i32 to vector<16xi32>
        %parallel_loop3A_242 = arith.addi %iota3A, %parallel_loop3A_241 : vector<16xi32>
        %parallel_loop3A_243 = vector.broadcast %parallel_loop3A_106#0 : i32 to vector<16xi32>
        %parallel_loop3A_244 = arith.cmpi slt, %parallel_loop3A_242, %parallel_loop3A_243 : vector<16xi32>
        %parallel_loop3A_245 = arith.cmpi sgt, %parallel_loop3A_238, %parallel_loop3A_156#1 : vector<16xi32>
        %parallel_loop3A_246 = arith.andi %parallel_loop3A_245, %parallel_loop3A_244 : vector<16xi1>
        %parallel_loop3A_247 = arith.cmpi eq, %parallel_loop3A_238, %parallel_loop3A_156#1 : vector<16xi32>
        %parallel_loop3A_248 = arith.andi %parallel_loop3A_247, %parallel_loop3A_244 : vector<16xi1>
        %parallel_loop3A_249 = arith.index_cast %parallel_loop3A_227 : i32 to index
        %parallel_loop3A_250 = tpu.vector_load %arg6[%parallel_loop3A_249] masked %parallel_loop3A_248 {strides = array<i32>} : memref<8208xi32, #tpu.memory_space<vmem>>, vector<16xi32>, vector<16xi1>
        tpu.vector_store %arg6[%parallel_loop3A_249], %parallel_loop3A_232 masked %parallel_loop3A_248 {strides = array<i32>} : memref<8208xi32, #tpu.memory_space<vmem>>, vector<16xi32>, vector<16xi1>
        %parallel_loop3A_251 = tpu.all_reduce %parallel_loop3A_248 {dim = 0 : i64, kind = #tpu.reduction_kind<sum>} : vector<16xi1> -> vector<16xi32>
        %parallel_loop3A_252 = vector.extract_strided_slice %parallel_loop3A_251 {offsets = [0], sizes = [1], strides = [1]} : vector<16xi32> to vector<1xi32>
        %parallel_loop3A_253 = vector.extract %parallel_loop3A_252[0] : i32 from vector<1xi32>
        %parallel_loop3A_254 = arith.addi %parallel_loop3A_227, %parallel_loop3A_253 : i32
        %parallel_loop3A_255 = tpu.all_reduce %parallel_loop3A_246 {dim = 0 : i64, kind = #tpu.reduction_kind<sum>} : vector<16xi1> -> vector<16xi32>
        %parallel_loop3A_256 = arith.addi %parallel_loop3A_228, %parallel_loop3A_255 : vector<16xi32>
        scf.yield %parallel_loop3A_254, %parallel_loop3A_256 : i32, vector<16xi32>
      } {sc.loop_unroll_factor = 2 : i64, sc.parallel_access}
      %shift_left3A_161 = arith.constant 6 : i32
      %shift_left3A_162 = vector.broadcast %shift_left3A_161 : i32 to vector<16xi32>
      %shift_left3A_163 = arith.shli %parallel_loop3A_156#1, %shift_left3A_162 : vector<16xi32>
      %or3A_164 = arith.ori %or3A_110, %shift_left3A_163 : vector<16xi32>
      %parallel_loop3A_165 = arith.constant 0 : i32
      %parallel_loop3A_166 = arith.constant 4 : i32
      %parallel_loop3A_167 = arith.constant 1 : i32
      scf.for %parallel_loop3A_226 = %parallel_loop3A_165 to %parallel_loop3A_166 step %parallel_loop3A_167  : i32 {
        %parallel_loop3A_227 = arith.constant 0 : i32
        %parallel_loop3A_228 = vector.broadcast %parallel_loop3A_227 : i32 to vector<16xi32>
        %parallel_loop3A_229 = arith.constant 16 : i32
        %parallel_loop3A_230 = arith.muli %parallel_loop3A_226, %parallel_loop3A_229 : i32
        %parallel_loop3A_231 = arith.index_cast %parallel_loop3A_230 : i32 to index
        %parallel_loop3A_232 = tpu.vector_load %arg8[%parallel_loop3A_231] {strides = array<i32>} : memref<256xi32, #tpu.memory_space<vmem>>, vector<16xi32>,
        tpu.vector_store %arg8[%parallel_loop3A_231], %parallel_loop3A_228 {strides = array<i32>} : memref<256xi32, #tpu.memory_space<vmem>>, vector<16xi32>,
      } {sc.loop_unroll_factor = 1 : i64, sc.parallel_access}
      %add3A_168 = arith.constant 15 : i32
      %add3A_169 = arith.addi %parallel_loop3A_160#0, %add3A_168 : i32
      %jit3A_170 = arith.constant 16 : i32
      %div3A_171 = arith.divsi %add3A_169, %jit3A_170 : i32
      %sign3A_172 = arith.constant 0 : i32
      %sign3A_173 = arith.cmpi sgt, %add3A_169, %sign3A_172 : i32
      %sign3A_174 = arith.extui %sign3A_173 : i1 to i32
      %sign3A_175 = arith.constant 0 : i32
      %sign3A_176 = arith.cmpi slt, %add3A_169, %sign3A_175 : i32
      %sign3A_177 = arith.extui %sign3A_176 : i1 to i32
      %sign3A_178 = arith.subi %sign3A_174, %sign3A_177 : i32
      %sign3A_179 = arith.constant 0 : i32
      %sign3A_180 = arith.cmpi sgt, %jit3A_170, %sign3A_179 : i32
      %sign3A_181 = arith.extui %sign3A_180 : i1 to i32
      %sign3A_182 = arith.constant 0 : i32
      %sign3A_183 = arith.cmpi slt, %jit3A_170, %sign3A_182 : i32
      %sign3A_184 = arith.extui %sign3A_183 : i1 to i32
      %sign3A_185 = arith.subi %sign3A_181, %sign3A_184 : i32
      %ne3A_186 = arith.cmpi ne, %sign3A_178, %sign3A_185 : i32
      %rem3A_187 = arith.remsi %add3A_169, %jit3A_170 : i32
      %ne3A_188 = arith.constant 0 : i32
      %ne3A_189 = arith.cmpi ne, %rem3A_187, %ne3A_188 : i32
      %and3A_190 = arith.andi %ne3A_186, %ne3A_189 : i1
      %sub3A_191 = arith.constant 1 : i32
      %sub3A_192 = arith.subi %div3A_171, %sub3A_191 : i32
      %select_n3A_193 = arith.select %and3A_190, %sub3A_192, %div3A_171 : i32
      %parallel_loop3A_194 = arith.constant 0 : i32
      %parallel_loop3A_195 = arith.constant 1 : i32
      scf.for %parallel_loop3A_226 = %parallel_loop3A_194 to %select_n3A_193 step %parallel_loop3A_195  : i32 {
        %parallel_loop3A_227 = arith.constant 16 : i32
        %parallel_loop3A_228 = arith.muli %parallel_loop3A_226, %parallel_loop3A_227 : i32
        %parallel_loop3A_229 = arith.index_cast %parallel_loop3A_228 : i32 to index
        %parallel_loop3A_230 = tpu.vector_load %arg6[%parallel_loop3A_229] {strides = array<i32>} : memref<8208xi32, #tpu.memory_space<vmem>>, vector<16xi32>,
        %parallel_loop3A_231 = arith.constant 0 : i32
        %parallel_loop3A_232 = vector.broadcast %parallel_loop3A_231 : i32 to vector<16xi32>
        %parallel_loop3A_233 = arith.shrsi %parallel_loop3A_230, %parallel_loop3A_232 : vector<16xi32>
        %parallel_loop3A_234 = arith.constant 63 : i32
        %parallel_loop3A_235 = vector.broadcast %parallel_loop3A_234 : i32 to vector<16xi32>
        %parallel_loop3A_236 = arith.andi %parallel_loop3A_233, %parallel_loop3A_235 : vector<16xi32>
        %parallel_loop3A_237 = arith.constant 16 : i32
        %parallel_loop3A_238 = arith.muli %parallel_loop3A_226, %parallel_loop3A_237 : i32
        %parallel_loop3A_239 = vector.broadcast %parallel_loop3A_238 : i32 to vector<16xi32>
        %parallel_loop3A_240 = arith.addi %iota3A, %parallel_loop3A_239 : vector<16xi32>
        %parallel_loop3A_241 = vector.broadcast %parallel_loop3A_160#0 : i32 to vector<16xi32>
        %parallel_loop3A_242 = arith.cmpi slt, %parallel_loop3A_240, %parallel_loop3A_241 : vector<16xi32>
        tpu.vector_store_idx %arg8[%parallel_loop3A_236], %broadcast_in_dim3A_3 masked %parallel_loop3A_242 {add = true} : memref<256xi32, #tpu.memory_space<vmem>>[vector<16xi32>], vector<16xi32>, vector<16xi1>
      } {sc.loop_unroll_factor = 8 : i64, sc.parallel_access}
      %add3A_196 = vector.broadcast %parallel_loop3A_160#0 : i32 to vector<16xi32>
      %add3A_197 = arith.addi %parallel_loop3A_160#1, %add3A_196 : vector<16xi32>
      %sub3A_198 = arith.constant 4096 : i32
      %sub3A_199 = vector.broadcast %sub3A_198 : i32 to vector<16xi32>
      %sub3A_200 = arith.subi %add3A_197, %sub3A_199 : vector<16xi32>
      %broadcast_in_dim3A_201 = arith.constant 0 : i32
      %broadcast_in_dim3A_202 = vector.broadcast %broadcast_in_dim3A_201 : i32 to vector<16xi32>
      %broadcast_in_dim3A_203 = arith.constant 0 : i32
      %broadcast_in_dim3A_204 = vector.broadcast %broadcast_in_dim3A_203 : i32 to vector<16xi32>
      %broadcast_in_dim3A_205 = arith.constant 0 : i32
      %broadcast_in_dim3A_206 = vector.broadcast %broadcast_in_dim3A_205 : i32 to vector<16xi32>
      %parallel_loop3A_207 = arith.constant 0 : i32
      %parallel_loop3A_208 = arith.constant 4 : i32
      %parallel_loop3A_209 = arith.constant 1 : i32
      %parallel_loop3A_210:3 = scf.for %parallel_loop3A_226 = %parallel_loop3A_207 to %parallel_loop3A_208 step %parallel_loop3A_209 iter_args(%parallel_loop3A_227 = %broadcast_in_dim3A_202, %parallel_loop3A_228 = %broadcast_in_dim3A_204, %parallel_loop3A_229 = %broadcast_in_dim3A_206) -> (vector<16xi32>, vector<16xi32>, vector<16xi32>)  : i32 {
        %parallel_loop3A_230 = arith.constant 16 : i32
        %parallel_loop3A_231 = arith.muli %parallel_loop3A_226, %parallel_loop3A_230 : i32
        %parallel_loop3A_232 = arith.index_cast %parallel_loop3A_231 : i32 to index
        %parallel_loop3A_233 = tpu.vector_load %arg8[%parallel_loop3A_232] {strides = array<i32>} : memref<256xi32, #tpu.memory_space<vmem>>, vector<16xi32>,
        %parallel_loop3A_234 = arith.constant true
        %parallel_loop3A_235 = vector.broadcast %parallel_loop3A_234 : i1 to vector<16xi1>
        %parallel_loop3A_236 = tpu.scan <sum>, %parallel_loop3A_233 masked %parallel_loop3A_235 : vector<16xi32>, vector<16xi1> -> vector<16xi32>
        %parallel_loop3A_237 = arith.addi %parallel_loop3A_227, %parallel_loop3A_236 : vector<16xi32>
        %parallel_loop3A_238 = arith.cmpi sgt, %parallel_loop3A_237, %sub3A_200 : vector<16xi32>
        %parallel_loop3A_239 = tpu.all_reduce %parallel_loop3A_238 {dim = 0 : i64, kind = #tpu.reduction_kind<find_first_set>} : vector<16xi1> -> vector<16xi32>
        %parallel_loop3A_240 = arith.constant 16 : i32
        %parallel_loop3A_241 = vector.broadcast %parallel_loop3A_240 : i32 to vector<16xi32>
        %parallel_loop3A_242 = arith.cmpi slt, %parallel_loop3A_239, %parallel_loop3A_241 : vector<16xi32>
        %parallel_loop3A_243 = arith.constant 0 : i32
        %parallel_loop3A_244 = vector.broadcast %parallel_loop3A_243 : i32 to vector<16xi32>
        %parallel_loop3A_245 = arith.cmpi sgt, %parallel_loop3A_229, %parallel_loop3A_244 : vector<16xi32>
        %parallel_loop3A_246 = arith.constant dense<true> : vector<16xi1>
        %parallel_loop3A_247 = arith.xori %parallel_loop3A_242, %parallel_loop3A_246 : vector<16xi1>
        %parallel_loop3A_248 = arith.ori %parallel_loop3A_245, %parallel_loop3A_247 : vector<16xi1>
        %parallel_loop3A_249 = arith.constant 16 : i32
        %parallel_loop3A_250 = arith.muli %parallel_loop3A_226, %parallel_loop3A_249 : i32
        %parallel_loop3A_251 = vector.broadcast %parallel_loop3A_250 : i32 to vector<16xi32>
        %parallel_loop3A_252 = arith.addi %parallel_loop3A_251, %parallel_loop3A_239 : vector<16xi32>
        %parallel_loop3A_253 = arith.select %parallel_loop3A_248, %parallel_loop3A_228, %parallel_loop3A_252 : vector<16xi1>, vector<16xi32>
        %parallel_loop3A_254 = vector.extract_strided_slice %parallel_loop3A_236 {offsets = [15], sizes = [1], strides = [1]} : vector<16xi32> to vector<1xi32>
        %parallel_loop3A_255 = vector.extract %parallel_loop3A_254[0] : i32 from vector<1xi32>
        %parallel_loop3A_256 = vector.broadcast %parallel_loop3A_255 : i32 to vector<16xi32>
        %parallel_loop3A_257 = arith.addi %parallel_loop3A_227, %parallel_loop3A_256 : vector<16xi32>
        %parallel_loop3A_258 = arith.extui %parallel_loop3A_242 : vector<16xi1> to vector<16xi32>
        %parallel_loop3A_259 = arith.ori %parallel_loop3A_229, %parallel_loop3A_258 : vector<16xi32>
        scf.yield %parallel_loop3A_257, %parallel_loop3A_253, %parallel_loop3A_259 : vector<16xi32>, vector<16xi32>, vector<16xi32>
      } {sc.loop_unroll_factor = 1 : i64, sc.parallel_access}
      %parallel_loop3A_211 = arith.constant 0 : i32
      %parallel_loop3A_212 = arith.constant 1 : i32
      %parallel_loop3A_213 = arith.constant 0 : i32
      %parallel_loop3A_214:2 = scf.for %parallel_loop3A_226 = %parallel_loop3A_211 to %select_n3A_193 step %parallel_loop3A_212 iter_args(%parallel_loop3A_227 = %parallel_loop3A_213, %parallel_loop3A_228 = %parallel_loop3A_160#1) -> (i32, vector<16xi32>)  : i32 {
        %parallel_loop3A_229 = arith.constant 16 : i32
        %parallel_loop3A_230 = arith.muli %parallel_loop3A_226, %parallel_loop3A_229 : i32
        %parallel_loop3A_231 = arith.index_cast %parallel_loop3A_230 : i32 to index
        %parallel_loop3A_232 = tpu.vector_load %arg6[%parallel_loop3A_231] {strides = array<i32>} : memref<8208xi32, #tpu.memory_space<vmem>>, vector<16xi32>,
        %parallel_loop3A_233 = arith.constant 0 : i32
        %parallel_loop3A_234 = vector.broadcast %parallel_loop3A_233 : i32 to vector<16xi32>
        %parallel_loop3A_235 = arith.shrsi %parallel_loop3A_232, %parallel_loop3A_234 : vector<16xi32>
        %parallel_loop3A_236 = arith.constant 63 : i32
        %parallel_loop3A_237 = vector.broadcast %parallel_loop3A_236 : i32 to vector<16xi32>
        %parallel_loop3A_238 = arith.andi %parallel_loop3A_235, %parallel_loop3A_237 : vector<16xi32>
        %parallel_loop3A_239 = arith.constant 16 : i32
        %parallel_loop3A_240 = arith.muli %parallel_loop3A_226, %parallel_loop3A_239 : i32
        %parallel_loop3A_241 = vector.broadcast %parallel_loop3A_240 : i32 to vector<16xi32>
        %parallel_loop3A_242 = arith.addi %iota3A, %parallel_loop3A_241 : vector<16xi32>
        %parallel_loop3A_243 = vector.broadcast %parallel_loop3A_160#0 : i32 to vector<16xi32>
        %parallel_loop3A_244 = arith.cmpi slt, %parallel_loop3A_242, %parallel_loop3A_243 : vector<16xi32>
        %parallel_loop3A_245 = arith.cmpi sgt, %parallel_loop3A_238, %parallel_loop3A_210#1 : vector<16xi32>
        %parallel_loop3A_246 = arith.andi %parallel_loop3A_245, %parallel_loop3A_244 : vector<16xi1>
        %parallel_loop3A_247 = arith.cmpi eq, %parallel_loop3A_238, %parallel_loop3A_210#1 : vector<16xi32>
        %parallel_loop3A_248 = arith.andi %parallel_loop3A_247, %parallel_loop3A_244 : vector<16xi1>
        %parallel_loop3A_249 = arith.index_cast %parallel_loop3A_227 : i32 to index
        %parallel_loop3A_250 = tpu.vector_load %arg7[%parallel_loop3A_249] masked %parallel_loop3A_248 {strides = array<i32>} : memref<8208xi32, #tpu.memory_space<vmem>>, vector<16xi32>, vector<16xi1>
        tpu.vector_store %arg7[%parallel_loop3A_249], %parallel_loop3A_232 masked %parallel_loop3A_248 {strides = array<i32>} : memref<8208xi32, #tpu.memory_space<vmem>>, vector<16xi32>, vector<16xi1>
        %parallel_loop3A_251 = tpu.all_reduce %parallel_loop3A_248 {dim = 0 : i64, kind = #tpu.reduction_kind<sum>} : vector<16xi1> -> vector<16xi32>
        %parallel_loop3A_252 = vector.extract_strided_slice %parallel_loop3A_251 {offsets = [0], sizes = [1], strides = [1]} : vector<16xi32> to vector<1xi32>
        %parallel_loop3A_253 = vector.extract %parallel_loop3A_252[0] : i32 from vector<1xi32>
        %parallel_loop3A_254 = arith.addi %parallel_loop3A_227, %parallel_loop3A_253 : i32
        %parallel_loop3A_255 = tpu.all_reduce %parallel_loop3A_246 {dim = 0 : i64, kind = #tpu.reduction_kind<sum>} : vector<16xi1> -> vector<16xi32>
        %parallel_loop3A_256 = arith.addi %parallel_loop3A_228, %parallel_loop3A_255 : vector<16xi32>
        scf.yield %parallel_loop3A_254, %parallel_loop3A_256 : i32, vector<16xi32>
      } {sc.loop_unroll_factor = 2 : i64, sc.parallel_access}
      %shift_left3A_215 = arith.constant 0 : i32
      %shift_left3A_216 = vector.broadcast %shift_left3A_215 : i32 to vector<16xi32>
      %shift_left3A_217 = arith.shli %parallel_loop3A_210#1, %shift_left3A_216 : vector<16xi32>
      %or3A_218 = arith.ori %or3A_164, %shift_left3A_217 : vector<16xi32>
      %sub3A_219 = arith.subi %broadcast_in_dim3A_5, %parallel_loop3A_214#1 : vector<16xi32>
      %broadcast_in_dim3A_220 = arith.constant 0 : i32
      %broadcast_in_dim3A_221 = vector.broadcast %broadcast_in_dim3A_220 : i32 to vector<16xi32>
      %parallel_loop3A_222 = arith.constant 0 : i32
      %parallel_loop3A_223 = arith.constant 512 : i32
      %parallel_loop3A_224 = arith.constant 1 : i32
      %parallel_loop3A_225 = scf.for %parallel_loop3A_226 = %parallel_loop3A_222 to %parallel_loop3A_223 step %parallel_loop3A_224 iter_args(%parallel_loop3A_227 = %broadcast_in_dim3A_221) -> (vector<16xi32>)  : i32 {
        %parallel_loop3A_228 = arith.constant 16 : i32
        %parallel_loop3A_229 = arith.muli %parallel_loop3A_226, %parallel_loop3A_228 : i32
        %parallel_loop3A_230 = arith.index_cast %parallel_loop3A_229 : i32 to index
        %parallel_loop3A_231 = tpu.vector_load %arg4[%parallel_loop3A_230] {strides = array<i32>} : memref<8192xf32, #tpu.memory_space<vmem>>, vector<16xf32>,
        %parallel_loop3A_232 = tpu.bitcast %parallel_loop3A_231 : vector<16xf32> -> vector<16xi32>
        %parallel_loop3A_233 = arith.cmpi sgt, %parallel_loop3A_232, %or3A_218 : vector<16xi32>
        %parallel_loop3A_234 = arith.cmpi eq, %parallel_loop3A_232, %or3A_218 : vector<16xi32>
        %parallel_loop3A_235 = tpu.scan <sum>, %broadcast_in_dim3A_3 masked %parallel_loop3A_234 : vector<16xi32>, vector<16xi1> -> vector<16xi32>
        %parallel_loop3A_236 = arith.addi %parallel_loop3A_227, %parallel_loop3A_235 : vector<16xi32>
        %parallel_loop3A_237 = arith.cmpi sle, %parallel_loop3A_236, %sub3A_219 : vector<16xi32>
        %parallel_loop3A_238 = arith.andi %parallel_loop3A_234, %parallel_loop3A_237 : vector<16xi1>
        %parallel_loop3A_239 = arith.ori %parallel_loop3A_233, %parallel_loop3A_238 : vector<16xi1>
        %parallel_loop3A_240 = arith.constant 1.000000e+00 : f32
        %parallel_loop3A_241 = arith.constant 0.000000e+00 : f32
        %parallel_loop3A_242 = vector.broadcast %parallel_loop3A_240 : f32 to vector<16xf32>
        %parallel_loop3A_243 = vector.broadcast %parallel_loop3A_241 : f32 to vector<16xf32>
        %parallel_loop3A_244 = arith.select %parallel_loop3A_239, %parallel_loop3A_242, %parallel_loop3A_243 : vector<16xi1>, vector<16xf32>
        %parallel_loop3A_245 = arith.constant 16 : i32
        %parallel_loop3A_246 = arith.muli %parallel_loop3A_226, %parallel_loop3A_245 : i32
        %parallel_loop3A_247 = arith.index_cast %parallel_loop3A_246 : i32 to index
        %parallel_loop3A_248 = tpu.vector_load %arg5[%parallel_loop3A_247] {strides = array<i32>} : memref<8192xf32, #tpu.memory_space<vmem>>, vector<16xf32>,
        tpu.vector_store %arg5[%parallel_loop3A_247], %parallel_loop3A_244 {strides = array<i32>} : memref<8192xf32, #tpu.memory_space<vmem>>, vector<16xf32>,
        %parallel_loop3A_249 = tpu.all_reduce %parallel_loop3A_234 {dim = 0 : i64, kind = #tpu.reduction_kind<sum>} : vector<16xi1> -> vector<16xi32>
        %parallel_loop3A_250 = arith.addi %parallel_loop3A_227, %parallel_loop3A_249 : vector<16xi32>
        scf.yield %parallel_loop3A_250 : vector<16xi32>
      } {sc.loop_unroll_factor = 8 : i64, sc.parallel_access}
      "tpu.region"() ({
        %run_scoped3A = tpu.sem_alloc : memref<!tpu.dma_semaphore, #tpu.memory_space<semaphore_mem>>
        %dma_start3A = arith.constant 0 : i32
        %dma_start3A_226 = tpu.memref_slice %arg3[%add3A, %dma_start3A] : memref<4x8192xf32, #tpu.memory_space<hbm>> -> memref<1x8192xf32, #tpu.memory_space<hbm>>
        %dma_start3A_227 = tpu.memref_squeeze %dma_start3A_226 : memref<1x8192xf32, #tpu.memory_space<hbm>> -> memref<8192xf32, #tpu.memory_space<hbm>>
        %dma_start3A_228 = arith.constant 0 : i32
        %dma_start3A_229 = tpu.memref_slice %arg3[%add3A, %dma_start3A_228] : memref<4x8192xf32, #tpu.memory_space<hbm>> -> memref<1x8192xf32, #tpu.memory_space<hbm>>
        %dma_start3A_230 = tpu.memref_squeeze %dma_start3A_229 : memref<1x8192xf32, #tpu.memory_space<hbm>> -> memref<8192xf32, #tpu.memory_space<hbm>>
        tpu.enqueue_dma source(%arg5 : memref<8192xf32, #tpu.memory_space<vmem>>) target(%dma_start3A_230 : memref<8192xf32, #tpu.memory_space<hbm>>) target_semaphore(%run_scoped3A : memref<!tpu.dma_semaphore, #tpu.memory_space<semaphore_mem>>)
        %dma_wait3A = arith.constant 0 : i32
        %dma_wait3A_231 = tpu.memref_slice %arg3[%add3A, %dma_wait3A] : memref<4x8192xf32, #tpu.memory_space<hbm>> -> memref<1x8192xf32, #tpu.memory_space<hbm>>
        %dma_wait3A_232 = tpu.memref_squeeze %dma_wait3A_231 : memref<1x8192xf32, #tpu.memory_space<hbm>> -> memref<8192xf32, #tpu.memory_space<hbm>>
        %dma_wait3A_233 = arith.constant 0 : i32
        %dma_wait3A_234 = tpu.memref_slice %arg3[%add3A, %dma_wait3A_233] : memref<4x8192xf32, #tpu.memory_space<hbm>> -> memref<1x8192xf32, #tpu.memory_space<hbm>>
        %dma_wait3A_235 = tpu.memref_squeeze %dma_wait3A_234 : memref<1x8192xf32, #tpu.memory_space<hbm>> -> memref<8192xf32, #tpu.memory_space<hbm>>
        tpu.wait_dma2 semaphore(%run_scoped3A : memref<!tpu.dma_semaphore, #tpu.memory_space<semaphore_mem>>) src(%arg5 : memref<8192xf32, #tpu.memory_space<vmem>>) dst(%dma_wait3A_235 : memref<8192xf32, #tpu.memory_space<hbm>>)
        tpu.yield
      }) : () -> ()
    } else {
    }
    return
  }
}

module attributes {stable_mosaic.version = 14 : i64} {
  func.func @_logits_body(%arg0: i32, %arg1: memref<1024x2048xf32, #tpu.memory_space<vmem>>, %arg2: memref<1x1x2048xf32, #tpu.memory_space<vmem>>, %arg3: memref<1x2048xf32, #tpu.memory_space<vmem>>, %arg4: memref<1xf32, #tpu.memory_space<smem>>, %arg5: memref<1024x1xf32, #tpu.memory_space<vmem>>) attributes {dimension_semantics = [#tpu.dimension_semantics<arbitrary>], iteration_bounds = array<i64: 32>, scalar_prefetch = 0 : i64, scratch_operands = 0 : i64, tpu.core_type = #tpu.core_type<tc>, window_params = [{transform_indices = @transform_0, window_bounds = array<i64: 1024, 2048>}, {transform_indices = @transform_1, window_bounds = array<i64: 1, 1, 2048>}, {pipeline_mode = #tpu.pipeline_mode<synchronous>, transform_indices = @transform_2, window_bounds = array<i64: 1, 2048>}, {transform_indices = @transform_3, window_bounds = array<i64: 1>}, {transform_indices = @transform_4, window_bounds = array<i64: 1024, 1>}]} {
    %get3A = arith.constant 0 : index
    %get3A_0 = arith.constant 0 : index
    %get3A_1 = vector.load %arg1[%get3A, %get3A_0] : memref<1024x2048xf32, #tpu.memory_space<vmem>>, vector<1024x2048xf32>
    %get3A_2 = arith.constant 0 : index
    %get3A_3 = arith.constant 0 : index
    %get3A_4 = arith.constant 0 : index
    %get3A_5 = vector.load %arg2[%get3A_2, %get3A_3, %get3A_4] : memref<1x1x2048xf32, #tpu.memory_space<vmem>>, vector<1x1x2048xf32>
    %get3A_6 = vector.shape_cast %get3A_5 : vector<1x1x2048xf32> to vector<1x2048xf32>
    %add3A = vector.broadcast %get3A_6 : vector<1x2048xf32> to vector<1024x2048xf32>
    %add3A_7 = arith.addf %get3A_1, %add3A : vector<1024x2048xf32>
    %convert_element_type3A = arith.truncf %add3A_7 : vector<1024x2048xf32> to vector<1024x2048xbf16>
    %convert_element_type3A_8 = arith.extf %convert_element_type3A : vector<1024x2048xbf16> to vector<1024x2048xf32>
    %get3A_9 = arith.constant 0 : index
    %get3A_10 = arith.constant 0 : index
    %get3A_11 = vector.load %arg3[%get3A_9, %get3A_10] : memref<1x2048xf32, #tpu.memory_space<vmem>>, vector<1x2048xf32>
    %convert_element_type3A_12 = arith.truncf %get3A_11 : vector<1x2048xf32> to vector<1x2048xbf16>
    %convert_element_type3A_13 = arith.extf %convert_element_type3A_12 : vector<1x2048xbf16> to vector<1x2048xf32>
    %mul3A = vector.broadcast %convert_element_type3A_13 : vector<1x2048xf32> to vector<1024x2048xf32>
    %mul3A_14 = arith.mulf %convert_element_type3A_8, %mul3A : vector<1024x2048xf32>
    %reduce_sum3A = arith.constant dense<0.000000e+00> : vector<1024xf32>
    %reduce_sum3A_15 = vector.multi_reduction <add>, %mul3A_14, %reduce_sum3A [1] : vector<1024x2048xf32> to vector<1024xf32>
    %broadcast_in_dim3A = vector.shape_cast %reduce_sum3A_15 : vector<1024xf32> to vector<1024x1xf32>
    %get3A_16 = arith.constant 0 : index
    %get3A_17 = memref.load %arg4[%get3A_16] : memref<1xf32, #tpu.memory_space<smem>>
    %add3A_18 = vector.broadcast %get3A_17 : f32 to vector<1024x1xf32>
    %add3A_19 = arith.addf %broadcast_in_dim3A, %add3A_18 : vector<1024x1xf32>
    %swap3A = arith.constant 0 : index
    %swap3A_20 = arith.constant 0 : index
    %swap3A_21 = vector.load %arg5[%swap3A, %swap3A_20] : memref<1024x1xf32, #tpu.memory_space<vmem>>, vector<1024x1xf32>
    tpu.vector_store %arg5[%swap3A, %swap3A_20], %add3A_19 {strides = array<i32>} : memref<1024x1xf32, #tpu.memory_space<vmem>>, vector<1024x1xf32>,
    return
  }
  func.func @transform_0(%arg0: i32) -> (i32, i32) {
    %c0_i32 = arith.constant 0 : i32
    %c0_i32_0 = arith.constant 0 : i32
    return %arg0, %c0_i32 : i32, i32
  }
  func.func @transform_1(%arg0: i32) -> (i32, i32, i32) {
    %jit3A = arith.constant 8 : i32
    %div3A = arith.divsi %arg0, %jit3A : i32
    %sign3A = arith.constant 0 : i32
    %sign3A_0 = arith.cmpi sgt, %arg0, %sign3A : i32
    %sign3A_1 = arith.extui %sign3A_0 : i1 to i32
    %sign3A_2 = arith.constant 0 : i32
    %sign3A_3 = arith.cmpi slt, %arg0, %sign3A_2 : i32
    %sign3A_4 = arith.extui %sign3A_3 : i1 to i32
    %sign3A_5 = arith.subi %sign3A_1, %sign3A_4 : i32
    %sign3A_6 = arith.constant 0 : i32
    %sign3A_7 = arith.cmpi sgt, %jit3A, %sign3A_6 : i32
    %sign3A_8 = arith.extui %sign3A_7 : i1 to i32
    %sign3A_9 = arith.constant 0 : i32
    %sign3A_10 = arith.cmpi slt, %jit3A, %sign3A_9 : i32
    %sign3A_11 = arith.extui %sign3A_10 : i1 to i32
    %sign3A_12 = arith.subi %sign3A_8, %sign3A_11 : i32
    %ne3A = arith.cmpi ne, %sign3A_5, %sign3A_12 : i32
    %rem3A = arith.remsi %arg0, %jit3A : i32
    %ne3A_13 = arith.constant 0 : i32
    %ne3A_14 = arith.cmpi ne, %rem3A, %ne3A_13 : i32
    %and3A = arith.andi %ne3A, %ne3A_14 : i1
    %sub3A = arith.constant 1 : i32
    %sub3A_15 = arith.subi %div3A, %sub3A : i32
    %select_n3A = arith.select %and3A, %sub3A_15, %div3A : i32
    %c0_i32 = arith.constant 0 : i32
    %c0_i32_16 = arith.constant 0 : i32
    %c0_i32_17 = arith.constant 0 : i32
    return %select_n3A, %c0_i32, %c0_i32_16 : i32, i32, i32
  }
  func.func @transform_2(%arg0: i32) -> (i32, i32) {
    %c0_i32 = arith.constant 0 : i32
    %c0_i32_0 = arith.constant 0 : i32
    %c0_i32_1 = arith.constant 0 : i32
    return %c0_i32, %c0_i32_0 : i32, i32
  }
  func.func @transform_3(%arg0: i32) -> i32 {
    %c0_i32 = arith.constant 0 : i32
    %c0_i32_0 = arith.constant 0 : i32
    return %c0_i32 : i32
  }
  func.func @transform_4(%arg0: i32) -> (i32, i32) {
    %c0_i32 = arith.constant 0 : i32
    %c0_i32_0 = arith.constant 0 : i32
    return %arg0, %c0_i32 : i32, i32
  }
}

module attributes {stable_mosaic.version = 14 : i64} {
  func.func @_q_body(%arg0: memref<4x8192xf32, #tpu.memory_space<vmem>>, %arg1: memref<4x8192xf32, #tpu.memory_space<vmem>>, %arg2: memref<4x8192xf32, #tpu.memory_space<vmem>>) attributes {dimension_semantics = [], scalar_prefetch = 0 : i64, scratch_operands = 0 : i64, tpu.core_type = #tpu.core_type<tc>} {
    %get3A = arith.constant 0 : index
    %get3A_0 = arith.constant 0 : index
    %get3A_1 = vector.load %arg0[%get3A, %get3A_0] : memref<4x8192xf32, #tpu.memory_space<vmem>>, vector<4x8192xf32>
    %get3A_2 = arith.constant 0 : index
    %get3A_3 = arith.constant 0 : index
    %get3A_4 = vector.load %arg1[%get3A_2, %get3A_3] : memref<4x8192xf32, #tpu.memory_space<vmem>>, vector<4x8192xf32>
    %add3A = arith.addf %get3A_1, %get3A_4 : vector<4x8192xf32>
    %div3A = arith.constant 5.000000e+00 : f32
    %div3A_5 = vector.broadcast %div3A : f32 to vector<4x8192xf32>
    %div3A_6 = arith.divf %add3A, %div3A_5 : vector<4x8192xf32>
    %reduce_max3A = arith.constant dense<0xFF800000> : vector<4xf32>
    %reduce_max3A_7 = vector.multi_reduction <maximumf>, %div3A_6, %reduce_max3A [1] : vector<4x8192xf32> to vector<4xf32>
    %broadcast_in_dim3A = vector.shape_cast %reduce_max3A_7 : vector<4xf32> to vector<4x1xf32>
    %sub3A = vector.broadcast %broadcast_in_dim3A : vector<4x1xf32> to vector<4x8192xf32>
    %sub3A_8 = arith.subf %div3A_6, %sub3A : vector<4x8192xf32>
    %exp3A = math.exp %sub3A_8 : vector<4x8192xf32>
    %reduce_sum3A = arith.constant dense<0.000000e+00> : vector<4xf32>
    %reduce_sum3A_9 = vector.multi_reduction <add>, %exp3A, %reduce_sum3A [1] : vector<4x8192xf32> to vector<4xf32>
    %broadcast_in_dim3A_10 = vector.shape_cast %reduce_sum3A_9 : vector<4xf32> to vector<4x1xf32>
    %div3A_11 = vector.broadcast %broadcast_in_dim3A_10 : vector<4x1xf32> to vector<4x8192xf32>
    %div3A_12 = arith.divf %exp3A, %div3A_11 : vector<4x8192xf32>
    %swap3A = arith.constant 0 : index
    %swap3A_13 = arith.constant 0 : index
    %swap3A_14 = vector.load %arg2[%swap3A, %swap3A_13] : memref<4x8192xf32, #tpu.memory_space<vmem>>, vector<4x8192xf32>
    tpu.vector_store %arg2[%swap3A, %swap3A_13], %div3A_12 {strides = array<i32>} : memref<4x8192xf32, #tpu.memory_space<vmem>>, vector<4x8192xf32>,
    return
  }
}

</mosaic_0001>

<sc_bundles>
// kernel: kernel.5.cloned.1.call-start
scs
__scs_entry_jumppad:
0x0: {  	(pc) =	sbr.rel $0x88, $3  }
0x1: {  	(tag) =	ssettag $0x0;
	lr =	simm.s32 $0x1  }
0x2: {  	[smem:$0x3F9D] =	sst lr;
	_ =	strace $0xD0000000  }
0x3: {  	_ = 	snop  }
0x4: {  	_ = 	snop  }
0x5: {  	_ = 	snop  }
0x6: {  	_ = 	snop  }
0x7: {  	_ = 	snop  }
__scs_overlays_trampoline_lowered:
0x8: {  	[smem:$0x3FAC] =	sst s0  }
0x9: {  	[smem:$0x3FAD] =	sst s1  }
0xa: {  	[smem:$0x3FAE] =	sst s2  }
0xb: {  	[smem:$0x3FAF] =	sst s3  }
0xc: {  	[smem:$0x3FB0] =	sst s4  }
0xd: {  	[smem:$0x3FB1] =	sst s5  }
0xe: {  	[smem:$0x3FB2] =	sst s6  }
0xf: {  	[smem:$0x3FB3] =	sst s7  }
0x10: {  	[smem:$0x3FB4] =	sst s8  }
0x11: {  	[smem:$0x3FB5] =	sst s9;
	s0 =	simm.s32 @!p0 $0x0  }
0x12: {  	s1 =	sld [smem:$0x3F9B];
	s0 =	simm.s32 @p0 $0x1  }
0x13: {  	[smem:$0x3FB6] =	sst s0;
	s0 =	simm.s32 @!p1 $0x0  }
0x14: {  	s2 =	sld [smem:$0x3F9A];
	s0 =	simm.s32 @p1 $0x1  }
0x15: {  	[smem:$0x3FB7] =	sst s0;
	s0 =	simm.s32 @!p2 $0x0  }
0x16: {  	s3 =	sld [smem:$0x3FDB];
	s0 =	simm.s32 @p2 $0x1  }
0x17: {  	s4 =	simm.s32 $0x1BF5;
	[smem:$0x3FB9] =	sst s0  }
0x18: {  	s0 =	sld [smem:$0x3F9C];
	_ =	swait.ge [sflag:s4], $0x0  }
0x19: {  	s7 =	sld [smem:$0x3F9D]  }
0x1a: {  	s8 =	sadd.s32 $0xFFFFE003, lr  }
0x1b: {  	s9 =	sadd.s32 $0xFFFFFEF7, lr;
	s5 =	simm.s32 $0xFFFFFFFF;
	p2 =	slt.u32 s8, $0xFFFFF086  }
0x1c: {  	p1 =	slt.u32 s9, $0xF7A;
	s5 =	simm.s32 @!p2 $0x0  }
0x1d: {  	s5 =	simm.s32 @p1 $0x1;
	p0 =	seq.s32 s7, s2  }
0x1e: {  	s7 =	smul.u32 @!p0 $0xF7A, s2;
	p2 =	seq.s32 @!p0 s5, $0x0  }
0x1f: {  	s9 =	smul.u32 $0xF7A, s1;
	s8 =	simm.s32 @!p0 $0x1BF5;
	p2 =	por !p2, p0  }
0x20: {  	[sflag:s8] =	ssyncset.s32 @!p0 $0xFFFFF086;
	s6 =	sadd.s32 @!p0 s3, s7;
	s7 =	simm.s32 @!p0 $0x108  }
0x21: {  	s3 =	sadd.s32 s3, s9;
	s6 =	sadd.s32 @!p0 $0x88, s6;
	s7 =	simm.s32 @p2 $0x1082  }
0x22: {  	[simem:s7], [sflag:s8] =	dma.local @!p0 [hbm:s6], $0xF7A  }
0x23: {  	s9 =	sor.u32 $0xD0000000, s2;
	s6 =	simm.s32 $0x108;
	_ =	swait.ge @!p0 [sflag:s8], $0x0  }
0x24: {  	s3 =	sadd.s32 $0x88, s3;
	s6 =	simm.s32 @!p1 $0x1082;
	[sflag:s4] =	ssyncset.s32 $0xFFFFF086  }
0x25: {  	[simem:s6], [sflag:s4] =	dma.local [hbm:s3], $0xF7A  }
0x26: {  	[smem:$0x3F9D] =	sst s1;
	(tag) =	ssettag s2;
	_ =	strace s9  }
0x27: {  	s1 =	sld [smem:$0x3FAD]  }
0x28: {  	s2 =	sld [smem:$0x3FAE]  }
0x29: {  	s4 =	sld [smem:$0x3FB0]  }
0x2a: {  	p0 =	seq.s32 s5, $0x0;
	s5 =	sld [smem:$0x3FB1]  }
0x2b: {  	s6 =	sld [smem:$0x3FB2]  }
0x2c: {  	s7 =	sld [smem:$0x3FB3]  }
0x2d: {  	s3 =	simm.s32 $0x108;
	s8 =	sld [smem:$0x3FB4]  }
0x2e: {  	s3 =	simm.s32 @!p0 $0x1082;
	s9 =	sld [smem:$0x3FB5]  }
0x2f: {  	lr =	sadd.s32 s0, s3;
	s0 =	sld [smem:$0x3FAC]  }
0x30: {  	s3 =	sld [smem:$0x3FAF]  }
0x31: {  	[smem:$0x3FB8] =	sst s10  }
0x32: {  	s10 =	sld [smem:$0x3FB6];
	_ =	sdelay $0x3  }
0x33: {  	p0 =	seq.s32 s10, $0x1;
	s10 =	sld [smem:$0x3FB8];
	_ =	sdelay $0x3  }
0x34: {  	[smem:$0x3FB8] =	sst s10  }
0x35: {  	s10 =	sld [smem:$0x3FB7];
	_ =	sdelay $0x3  }
0x36: {  	p1 =	seq.s32 s10, $0x1;
	s10 =	sld [smem:$0x3FB8];
	_ =	sdelay $0x3  }
0x37: {  	[smem:$0x3FB8] =	sst s10  }
0x38: {  	s10 =	sld [smem:$0x3FB9]  }
0x39: {  	_ = 	snop;
	(pc) =	sbr.ind lr, $3  }
0x3a: {  	_ = 	snop  }
0x3b: {  	_ = 	snop  }
0x3c: {  	p2 =	seq.s32 s10, $0x1;
	s10 =	sld [smem:$0x3FB8]  }
0x3d: {  	_ =	shalt  }
0x3e: {  	_ =	shalt  }
0x3f: {  	_ =	shalt  }
0x40: {  	_ =	shalt  }
0x41: {  	_ =	shalt  }
0x42: {  	_ =	shalt  }
0x43: {  	_ =	shalt  }
0x44: {  	_ =	shalt  }
0x45: {  	_ =	shalt  }
0x46: {  	_ =	shalt  }
0x47: {  	_ =	shalt  }
0x48: {  	_ =	shalt  }
0x49: {  	_ =	shalt  }
0x4a: {  	_ =	shalt  }
0x4b: {  	_ =	shalt  }
0x4c: {  	_ =	shalt  }
0x4d: {  	_ =	shalt  }
0x4e: {  	_ =	shalt  }
0x4f: {  	_ =	shalt  }
0x50: {  	_ =	shalt  }
0x51: {  	_ =	shalt  }
0x52: {  	_ =	shalt  }
0x53: {  	_ =	shalt  }
0x54: {  	_ =	shalt  }
0x55: {  	_ =	shalt  }
0x56: {  	_ =	shalt  }
0x57: {  	_ =	shalt  }
0x58: {  	_ =	shalt  }
0x59: {  	_ =	shalt  }
0x5a: {  	_ =	shalt  }
0x5b: {  	_ =	shalt  }
0x5c: {  	_ =	shalt  }
0x5d: {  	_ =	shalt  }
0x5e: {  	_ =	shalt  }
0x5f: {  	_ =	shalt  }
0x60: {  	_ =	shalt  }
0x61: {  	_ =	shalt  }
0x62: {  	_ =	shalt  }
0x63: {  	_ =	shalt  }
0x64: {  	_ =	shalt  }
0x65: {  	_ =	shalt  }
0x66: {  	_ =	shalt  }
0x67: {  	_ =	shalt  }
0x68: {  	_ =	shalt  }
0x69: {  	_ =	shalt  }
0x6a: {  	_ =	shalt  }
0x6b: {  	_ =	shalt  }
0x6c: {  	_ =	shalt  }
0x6d: {  	_ =	shalt  }
0x6e: {  	_ =	shalt  }
0x6f: {  	_ =	shalt  }
0x70: {  	_ =	shalt  }
0x71: {  	_ =	shalt  }
0x72: {  	_ =	shalt  }
0x73: {  	_ =	shalt  }
0x74: {  	_ =	shalt  }
0x75: {  	_ =	shalt  }
0x76: {  	_ =	shalt  }
0x77: {  	_ =	shalt  }
0x78: {  	_ =	shalt  }
0x79: {  	_ =	shalt  }
0x7a: {  	_ =	shalt  }
0x7b: {  	_ =	shalt  }
0x7c: {  	_ =	shalt  }
0x7d: {  	_ =	shalt  }
0x7e: {  	_ =	shalt  }
0x7f: {  	_ =	shalt  }
0x80: {  	_ =	shalt  }
0x81: {  	_ =	shalt  }
0x82: {  	_ =	shalt  }
0x83: {  	_ =	shalt  }
0x84: {  	_ =	shalt  }
0x85: {  	_ =	shalt  }
0x86: {  	_ =	shalt  }
0x87: {  	_ =	shalt  }
.Lfunc_end0:
.L_simem_size_0:
called_computation_lowered:
.L_overlay_start_0:
0x88: {  	s2 =	sld [smem:$0x3FD9]  }
0x89: {  	s3 =	sld [smem:$0x3FFE];
	_ =	sdelay $0x1  }
0x8a: {  	s1 =	srdreg.scid  }
0x8b: {  	s0 =	sand.u32 $0x1, s1  }
0x8c: {  	s14 =	sshll.u32 s0, $0xA;
	s2 =	sadd.s32 s3, s2  }
0x8d: {  	s2 =	sadd.s32 s2, s14  }
0x8e: {  	[smem:$0x3FC4] =	sst s2  }
0x8f: {  	_ = 	snop  }
0x90: {  	s2 =	sld [smem:$0x3FD0];
	_ =	sdelay $0x2  }
0x91: {  	s15 =	simm.s32 $0xA;
	s4 =	simm.s32 $0x10  }
0x92: {  	[smem:s4], [sflag:s15] =	dma.local [hbm:s2], $0x1  }
0x93: {  	_ =	swait.eq [sflag:s15], $0x1  }
0x94: {  	[sflag:s15] =	ssyncset.done $0x0  }
0x95: {  	[sflag:s15] =	ssyncadd.s32 $0xFFFFFFFF  }
0x96: {  	s16 =	sld [smem:$0x10];
	(tm) =	ssettm $0x1  }
0x97: {  	s17 =	sld [smem:$0x3FFB];
	_ =	sdelay $0x3  }
0x98: {  	_ =	strace s17  }
0x99: {  	s3 =	sld [smem:$0x3FFC];
	_ =	sdelay $0x3  }
0x9a: {  	_ =	strace s3  }
0x9b: {  	s3 =	sld [smem:$0x3FFD];
	_ =	sdelay $0x3  }
0x9c: {  	_ =	strace s3  }
0x9d: {  	_ =	strace $0x8FFFFFFF  }
0x9e: {  	s18 =	sld [smem:$0x3FDB];
	_ =	sdelay $0x1  }
0x9f: {  	s19 =	simm.s32 $_scs_section_size  }
0xa0: {  	s5 =	simm.s32 $_size__tile_overlayer_lowered;
	s6 =	simm.s32 $_tile_overlayer_lowered  }
0xa1: {  	s22 =	simm.s32 $0x1BFF;
	s21 =	sshll.u32 s6, $0x1;
	s3 =	sadd.s32 s19, s18  }
0xa2: {  	s7 =	simm.s32 $0x0;
	s20 =	sshll.u32 s5, $0x1;
	s5 =	sadd.s32 s21, s3  }
0xa3: {  	[timem:s7], [sflag:s22] =	dma.local [hbm:s5], s20  }
0xa4: {  	_ =	swait.ge [sflag:s22], s20  }
0xa5: {  	s4 =	ssub.s32 $0x0, s20;
	[sflag:s22] =	ssyncset.done $0x0  }
0xa6: {  	[sflag:s22] =	ssyncadd.s32 s4;
	_ =	sdelay $0x1  }
0xa7: {  	s23 =	simm.s32 $0x1B8B  }
0xa8: {  	_ =	swait.ge [sflag:s23], $0x1  }
0xa9: {  	[sflag:s23] =	ssyncset.done $0x0  }
0xaa: {  	s25 =	simm.s32 $0x1B8E;
	s24 =	sld [smem:$0x3FFE];
	[sflag:s23] =	ssyncadd.s32 $0xFFFFFFFF  }
0xab: {  	s26 =	simm.s32 $execute0_lowered;
	[smem:$0x3FD2] =	sst s25  }
0xac: {  	s5 =	sshll.u32 s26, $0x1;
	_ =	strace $0x80000046;
	[dreg:$0x1] =	wrdreg $0xFFFFFFFF  }
0xad: {  	s28 =	simm.s32 $_size_execute0_lowered;
	s3 =	sadd.s32 s3, s5;
	[dreg:$0x0] =	wrdreg $0x0  }
0xae: {  	s5 =	sshll.u32 s28, $0x1;
	[dreg:$0x2] =	wrdreg s3  }
0xaf: {  	[dreg:$0x3] =	wrdreg s5  }
0xb0: {  	[dreg:$0x4] =	wrdreg $0xC0  }
0xb1: {  	_ =	task [dreg:s7], $0x5FFFF  }
0xb2: {  	[dreg:$0x1] =	wrdreg $0xFFFFFFFF  }
0xb3: {  	[dreg:$0x0] =	wrdreg $0x60  }
0xb4: {  	[dreg:$0x2] =	wrdreg s24  }
0xb5: {  	[dreg:$0x3] =	wrdreg s16  }
0xb6: {  	[dreg:$0x4] =	wrdreg $0x9  }
0xb7: {  	_ =	task.clear_ibuf [dreg:s7], $0x5FFFF;
	_ =	strace $0x90000046  }
0xb8: {  	s29 =	simm.s32 $0x9;
	_ =	strace $0x80000048  }
0xb9: {  	_ =	swait.ge [sflag:s29], $0x1  }
0xba: {  	[sflag:s29] =	ssyncadd.s32 $0xFFFFFFFF  }
0xbb: {  	_ =	strace $0x90000048  }
0xbc: {  	_ =	sfence  }
0xbd: {  	s30 =	sld [smem:$0x0];
	_ =	sdelay $0x2  }
0xbe: {  	s31 =	sshll.u32 s1, $0xD;
	s1 =	sshrl.u32 s1, $0x2  }
0xbf: {  	s3 =	sand.u32 $0x4000, s31;
	s1 =	sadd.s32 s1, s30  }
0xc0: {  	s0 =	sor.u32 s3, s0;
	s1 =	sshll.u32 s1, $0x11  }
0xc1: {  	s0 =	sor.u32 s1, s0  }
0xc2: {  	s0 =	sadd.s32 $0x8F2B, s0  }
0xc3: {  	[sflag:s0] =	ssyncadd.remote.s32 $0x1  }
0xc4: {  	_ =	sfence.sel $0xFFFF  }
0xc5: {  	[dreg:$0x0] =	wrdreg $0xFFFFFFFF;
	(pc) =	sbr.abs _section_cstart, $3  }
0xc6: {  	[dreg:$0x1] =	wrdreg $0xFFFFFFFF  }
0xc7: {  	_ =	task.clear_ibuf [dreg:s7], $0x2FFFF;
	_ =	strace $0x9FFFFFFF  }
0xc8: {  	(tm) =	ssettm $0x7FFFFFFF  }
0xc9: {  	_ =	shalt  }
tec
execute0_lowered:
.L_overlay_start_1:
0x0: {  	(tag) =	ssettag $0x1  }
0x1: {  	s1 =	stileid.u32  }
0x2: {  	p0 =	sgt.u32 s1, $0x1  }
.Ltmp0:
0x3: {  	_ = 	snop;
	(pc) =	sbr.rel @p0 .LBB2_45-.Ltmp0, $4  }
0x4: {  	s4 =	rddreg [dreg:$0x0]  }
0x5: {  	s3 =	rddreg [dreg:$0x1];
	s2 =	simm.s32 $0x0  }
0x6: {  	[smem:$0x7FF] =	sst s2  }
0x7: {  	s0 =	rddreg [dreg:$0x2];
	_ =	strace $0x80000047  }
0x8: {  	s5 =	srdreg.scid;
	s6 =	sshll.u32 s1, $0x5  }
0x9: {  	s4 =	sadd.s32 $0x800, s4;
	s8 =	simm.s32 $0x1;
	s5 =	sand.u32 $0x1, s5  }
0xa: {  	s9 =	simm.s32 $0x8100;
	s7 =	sshll.u32 s5, $0x4;
	s5 =	ssub.s32 $0x2, s5  }
0xb: {  	s10 =	simm.s32 $0x2000;
	s6 =	sor.u32 s7, s6;
	s31 =	sshrl.u32 s5, $0x1  }
0xc: {  	v0 =	vimm.s32 $0x0;
	s7 =	simm.s32 $0x200;
	s3 =	sadd.s32 s3, s6;
	s5 =	ssub.s32 s5, s31  }
0xd: {  	v1 =	vimm.s32 $0x1;
	v2 =	vlaneseq.u32;
	v3 =	vimm.f32 $0.0e+00;
	s4 =	sadd.s32 s4, s6;
	s6 =	simm.s32 $0x80;
	s5 =	smax.u32 s5, $0x1  }
.LBB2_2:
0xe: {  	s11 =	simm.s32 $0x0  }
0xf: {  	[tilespmem:s11], [sflag:$0x1] =	stream.strided.gather [hbm4b:s4+s6], $0x2000, s7, s6, $0x38;
	[tilespmem:$0x8200] =	vst v63  }
0x10: {  	_ =	swait.ge [sflag:s8], $0x2000  }
0x11: {  	[sflag:s8] =	ssyncset.done $0x0  }
0x12: {  	[sflag:s8] =	ssyncadd.s32 $0xFFFFE000  }
.LBB2_3:
0x13: {  	p0 =	sne.s32 s11, $0x3C0  }
.Ltmp1:
0x14: {  	_ = 	snop;
	(pc) =	sbr.rel @p0 .LBB2_3-.Ltmp1, $3  }
0x15: {  	_ =	sdelay $0x1  }
0x16: {  	s12 =	sshra.s32 s11, $0x2  }
0x17: {  	s11 =	sadd.s32 $0x40, s11;
	[tilespmem:s12+$0x8100] =	vst v0  }
0x18: {  	s11 =	simm.s32 $0x40  }
0x19: {  	v4 =	vld [tilespmem:s11+$0x30]  }
0x1a: {  	v5 =	vld [tilespmem:s11+$0xFFFFFFD0]  }
0x1b: {  	v6 =	vld [tilespmem:s11+$0xFFFFFFE0]  }
0x1c: {  	v7 =	vld [tilespmem:s11+$0xFFFFFFF0]  }
0x1d: {  	v8 =	vld [tilespmem:s11+$0x0]  }
0x1e: {  	v4 =	vshrl.u32 v4, $0x16  }
0x1f: {  	v5 =	vshrl.u32 v5, $0x16;
	v4 =	vand.u32 $0xFF, v4  }
0x20: {  	v9 =	vld [tilespmem:s11+$0x10];
	v6 =	vshrl.u32 v6, $0x16;
	v5 =	vand.u32 $0xFF, v5  }
0x21: {  	v10 =	vld [tilespmem:s11+$0x20];
	v7 =	vshrl.u32 v7, $0x16;
	v6 =	vand.u32 $0xFF, v6  }
0x22: {  	v11 =	vld [tilespmem:s11+$0xFFFFFFC0];
	v8 =	vshrl.u32 v8, $0x16;
	v7 =	vand.u32 $0xFF, v7  }
0x23: {  	s12 =	simm.s32 $0x8100;
	v8 =	vand.u32 $0xFF, v8  }
0x24: {  	[tilespmem:v4+s12+$0x0] =	vst.idx.add.s32.msk $0xffff, v1  }
0x25: {  	[tilespmem:v5+s12+$0x0] =	vst.idx.add.s32.msk $0xffff, v1  }
0x26: {  	[tilespmem:v6+s12+$0x0] =	vst.idx.add.s32.msk $0xffff, v1  }
0x27: {  	v63 =	vshrl.u32 v11, $0x16;
	v4 =	vshrl.u32 v9, $0x16;
	v5 =	vshrl.u32 v10, $0x16;
	[tilespmem:v7+s12+$0x0] =	vst.idx.add.s32.msk $0xffff, v1  }
0x28: {  	s13 =	simm.s32 $0x0;
	s14 =	simm.s32 $0xC0;
	v7 =	vand.u32 $0xFF, v63;
	[tilespmem:v8+s12+$0x0] =	vst.idx.add.s32.msk $0xffff, v1;
	v4 =	vand.u32 $0xFF, v4;
	v6 =	vand.u32 $0xFF, v5  }
.LBB2_5:
0x29: {  	v5 =	vld [tilespmem:s14+$0x30];
	s13 =	sadd.s32 $0x8, s13  }
0x2a: {  	v8 =	vld [tilespmem:s14+$0xFFFFFFD0];
	p0 =	slt.u32 s13, $0x1F8  }
0x2b: {  	v9 =	vld [tilespmem:s14+$0xFFFFFFE0]  }
0x2c: {  	v10 =	vld [tilespmem:s14+$0xFFFFFFF0]  }
0x2d: {  	v11 =	vld [tilespmem:s14+$0x0]  }
0x2e: {  	v12 =	vld [tilespmem:s14+$0x10];
	v5 =	vshrl.u32 v5, $0x16  }
0x2f: {  	v8 =	vshrl.u32 v8, $0x16;
	v13 =	vld [tilespmem:s14+$0x20];
	v5 =	vand.u32 $0xFF, v5  }
0x30: {  	v14 =	vld [tilespmem:s14+$0xFFFFFFC0];
	v8 =	vand.u32 $0xFF, v8;
	v9 =	vshrl.u32 v9, $0x16  }
0x31: {  	v9 =	vand.u32 $0xFF, v9;
	v10 =	vshrl.u32 v10, $0x16;
	[tilespmem:v7+s12+$0x0] =	vst.idx.add.s32.msk $0xffff, v1  }
0x32: {  	v10 =	vand.u32 $0xFF, v10;
	v7 =	vshrl.u32 v11, $0x16;
	[tilespmem:v4+s12+$0x0] =	vst.idx.add.s32.msk $0xffff, v1  }
0x33: {  	v11 =	vand.u32 $0xFF, v7;
	v4 =	vshrl.u32 v12, $0x16;
	[tilespmem:v6+s12+$0x0] =	vst.idx.add.s32.msk $0xffff, v1  }
.Ltmp2:
0x34: {  	s11 =	simm.s32 $0x0;
	v4 =	vand.u32 $0xFF, v4;
	v6 =	vshrl.u32 v13, $0x16;
	[tilespmem:v5+s12+$0x0] =	vst.idx.add.s32.msk $0xffff, v1;
	v5 =	vimm.s32 $0x0;
	(pc) =	sbr.rel @p0 .LBB2_5-.Ltmp2, $4  }
0x35: {  	v7 =	vshrl.u32 v14, $0x16;
	[tilespmem:v8+s12+$0x0] =	vst.idx.add.s32.msk $0xffff, v1;
	v6 =	vand.u32 $0xFF, v6  }
0x36: {  	v7 =	vand.u32 $0xFF, v7;
	[tilespmem:v9+s12+$0x0] =	vst.idx.add.s32.msk $0xffff, v1  }
0x37: {  	[tilespmem:v10+s12+$0x0] =	vst.idx.add.s32.msk $0xffff, v1  }
0x38: {  	s14 =	sadd.s32 $0x80, s14;
	[tilespmem:v11+s12+$0x0] =	vst.idx.add.s32.msk $0xffff, v1  }
0x39: {  	_ =	sdelay $0x3  }
0x3a: {  	[tilespmem:v7+s12+$0x0] =	vst.idx.add.s32.msk $0xffff, v1  }
0x3b: {  	[tilespmem:v4+s12+$0x0] =	vst.idx.add.s32.msk $0xffff, v1  }
0x3c: {  	[tilespmem:v6+s12+$0x0] =	vst.idx.add.s32.msk $0xffff, v1  }
0x3d: {  	v4 =	vld [tilespmem:s12+$0x0];
	_ =	sdelay $0x4  }
0x3e: {  	s30 =	simm.s32 $0x8110;
	(xrf0) =	vadd.scan.msk.s32 $0xffff, v4  }
0x3f: {  	v4 =	vld [tilespmem:s30+$0x0];
	_ =	sdelay $0x2  }
0x40: {  	s31 =	simm.s32 $0x8120  }
0x41: {  	v8 =	vld [tilespmem:s31+$0x0]  }
0x42: {  	(xrf0) =	vadd.scan.msk.s32 $0xffff, v4;
	v6, _, _ =	vpop (xrf0)  }
0x43: {  	v4 =	vadd.s32 v5, v6  }
0x44: {  	vm0 =	vgt.s32 v4, $0x1000  }
0x45: {  	v7 =	vbroadcast v6, $0xF;
	v4 =	vmctz.xlane vm0  }
0x46: {  	(xrf0) =	vadd.scan.msk.s32 $0xffff, v8;
	v8 =	vimm.s32 $0x0;
	vm0 =	vlt.s32 v5, $0x1  }
0x47: {  	s13 =	simm.s32 $0x10;
	v7 =	vadd.s32 v5, v7;
	vm1 =	vlt.s32 v4, $0x10;
	v6 =	vadd.s32 s11, v4  }
0x48: {  	s14 =	simm.s32 $0x30;
	s15 =	simm.s32 $0x8130;
	s12 =	simm.s32 $0x20;
	v9, _, _ =	vpop (xrf0);
	v4 =	vimm.s32 $0x0;
	vm0 =	vmand vm0, vm1;
	v10 =	vsel vm1, $0x1, v0  }
.LBB2_7:
0x49: {  	v11 =	vld [tilespmem:s15+$0x0];
	p0 =	sne.s32 s14, $0xF0;
	v12 =	vadd.s32 v7, v9;
	v4 =	vsel vm0, v6, v4;
	v8 =	vor.u32 v10, v8;
	s16 =	smov.u32 s14;
	s14 =	sadd.s32 $0x10, s14  }
.Ltmp3:
0x4a: {  	vm0 =	vgt.s32 v12, $0x1000;
	vm1 =	vlt.s32 v8, $0x1;
	(pc) =	sbr.rel @p0 .LBB2_7-.Ltmp3, $4  }
0x4b: {  	v6 =	vmctz.xlane vm0  }
0x4c: {  	v10 =	vbroadcast v9, $0xF  }
0x4d: {  	vm2 =	vlt.s32 v6, $0x10;
	v6 =	vadd.s32 s13, v6;
	s13 =	smov.u32 s12;
	s12 =	smov.u32 s16  }
0x4e: {  	s15 =	sadd.s32 $0x10, s15;
	v7 =	vadd.s32 v7, v10;
	(xrf0) =	vadd.scan.msk.s32 $0xffff, v11;
	v9, _, _ =	vpop (xrf0);
	vm0 =	vmand vm1, vm2;
	v10 =	vsel vm2, $0x1, v0  }
0x4f: {  	_ =	sdelay $0x2  }
0x50: {  	v11 =	vadd.s32 v7, v9;
	v9 =	vbroadcast v9, $0xF  }
0x51: {  	vm1 =	vgt.s32 v11, $0x1000  }
0x52: {  	s14 =	simm.s32 $0x10;
	v11 =	vmctz.xlane vm1;
	v7 =	vadd.s32 v7, v9;
	v12, _, _ =	vpop (xrf0)  }
0x53: {  	v10 =	vor.u32 v10, v8;
	v15 =	vld [tilespmem:s14+$0xFFFFFFF0];
	v7 =	vadd.s32 v7, v12  }
0x54: {  	vm3 =	vlt.s32 v10, $0x1;
	v8 =	vld [tilespmem:s14+$0x0];
	vm1 =	vlt.s32 v11, $0x10;
	vm2 =	vgt.s32 v7, $0x1000  }
0x55: {  	v9 =	vadd.s32 s13, v11;
	v7 =	vsel vm1, $0x1, v0;
	v11 =	vmctz.xlane vm2  }
0x56: {  	s30 =	simm.s32 $0x30;
	v4 =	vsel vm0, v6, v4;
	vm0 =	vmand vm3, vm1;
	v6 =	vor.u32 v7, v10  }
0x57: {  	v4 =	vsel vm0, v9, v4;
	v7 =	vld [tilespmem:s30+$0xFFFFFFF0];
	vm0 =	vlt.s32 v6, $0x1;
	vm1 =	vlt.s32 v11, $0x10  }
0x58: {  	v10 =	vshrl.u32 v15, $0x16;
	v6 =	vld [tilespmem:s30+$0x0];
	v9 =	vadd.s32 s12, v11;
	vm0 =	vmand vm0, vm1  }
0x59: {  	v11 =	vand.u32 $0xFF, v10;
	v4 =	vsel vm0, v9, v4;
	v9 =	vshrl.u32 v8, $0x16  }
0x5a: {  	vm0 =	veq.s32 v11, v4;
	v14 =	vand.u32 $0xFF, v9  }
0x5b: {  	v16 =	vmpcnt.ones.xlane vm0;
	vm1 =	veq.s32 v14, v4  }
0x5c: {  	v9 =	vshrl.u32 v7, $0x16;
	v17 =	vmpcnt.ones.xlane vm1  }
0x5d: {  	v10 =	vshrl.u32 v6, $0x16;
	v13 =	vand.u32 $0xFF, v9;
	(v2sf) =	vpush v16, $0x0  }
0x5e: {  	v12 =	vand.u32 $0xFF, v10;
	vm2 =	veq.s32 v13, v4;
	(v2sf) =	vpush v17, $0x0  }
0x5f: {  	v16 =	vmpcnt.ones.xlane vm2;
	vm3 =	veq.s32 v12, v4  }
0x60: {  	v17 =	vmpcnt.ones.xlane vm3  }
0x61: {  	s31 =	simm.s32 $0x50;
	(v2sf) =	vpush v16, $0x0  }
0x62: {  	v9 =	vld [tilespmem:s31+$0x0];
	(v2sf) =	vpush v17, $0x0  }
0x63: {  	v10 =	vld [tilespmem:s31+$0xFFFFFFF0];
	_ =	sdelay $0x2  }
0x64: {  	vm1 =	vmmov vm1  }
0x65: {  	vm4 =	vmmov vm0;
	vm1 =	vmmov vm1  }
0x66: {  	vm0 =	vmmov vm2;
	v17 =	vshrl.u32 v9, $0x16;
	v16 =	vshrl.u32 v10, $0x16  }
0x67: {  	s13 =	simm.s32 $0x70;
	s12 =	simm.s32 $0x4;
	[tilespmem:s11+$0x4000] =	vst.msk vm4, v15;
	vm2 =	vmmov vm3;
	v15 =	vand.u32 $0xFF, v17;
	v16 =	vand.u32 $0xFF, v16  }
.LBB2_9:
0x68: {  	v17 =	vld [tilespmem:s13+$0x0];
	vm3 =	veq.s32 v16, v4;
	vm4 =	vgt.s32 v11, v4;
	vm5 =	vgt.s32 v14, v4;
	v11 =	vmovc v13  }
0x69: {  	s12 =	sadd.s32 $0x2, s12;
	vm6 =	veq.s32 v15, v4;
	v13 =	vmovc v16;
	v14 =	vmovc v12;
	v18 =	vld [tilespmem:s13+$0xFFFFFFF0];
	v19 =	vmpcnt.ones.xlane vm3;
	v20 =	vmpcnt.ones.xlane vm4  }
0x6a: {  	v12 =	vmov v15;
	p0 =	slt.u32 s12, $0x1FE;
	v16 =	vmpcnt.ones.xlane vm6;
	v21 =	vmpcnt.ones.xlane vm5;
	s14 =	spop (v2sf)  }
.Ltmp4:
0x6b: {  	(v2sf) =	vpush v19, $0x0;
	s11 =	sadd.s32 s11, s14;
	v5 =	vadd.s32 v5, v20;
	s14 =	spop (v2sf);
	(pc) =	sbr.rel @p0 .LBB2_9-.Ltmp4, $4  }
0x6c: {  	(v2sf) =	vpush v16, $0x0;
	[tilespmem:s11+$0x4000] =	vst.msk vm1, v8;
	s11 =	sadd.s32 s11, s14;
	v5 =	vadd.s32 v21, v5;
	v8 =	vmovc v6;
	v6 =	vmovc v9;
	vm1 =	vmmov vm2  }
0x6d: {  	vm2 =	vmmov vm6;
	[tilespmem:s11+$0x4000] =	vst.msk vm0, v7;
	v9 =	vmovc v17;
	v7 =	vmov v10;
	vm0 =	vmmov vm3  }
0x6e: {  	v15 =	vshrl.u32 v18, $0x16;
	v17 =	vshrl.u32 v9, $0x16;
	v10 =	vmov v18  }
0x6f: {  	s13 =	sadd.s32 $0x20, s13;
	v16 =	vand.u32 $0xFF, v15;
	v15 =	vand.u32 $0xFF, v17  }
0x70: {  	vm3 =	veq.s32 v16, v4  }
0x71: {  	vm4 =	veq.s32 v15, v4;
	v17 =	vmpcnt.ones.xlane vm3  }
0x72: {  	v18 =	vmpcnt.ones.xlane vm4  }
0x73: {  	(v2sf) =	vpush v17, $0x0  }
0x74: {  	(v2sf) =	vpush v18, $0x0;
	_ =	sdelay $0x7  }
0x75: {  	vm5 =	vgt.s32 v11, v4  }
0x76: {  	vm6 =	vgt.s32 v14, v4;
	vm9 =	vgt.s32 v13, v4;
	v11 =	vmpcnt.ones.xlane vm5  }
0x77: {  	s12 =	spop (v2sf);
	vm2 =	vmmov vm2;
	vm10 =	vgt.s32 v12, v4;
	v14 =	vmpcnt.ones.xlane vm6  }
0x78: {  	vm12 =	vgt.s32 v16, v4;
	s13 =	spop (v2sf);
	s11 =	sadd.s32 s11, s12;
	v62 =	vmpcnt.ones.xlane vm9;
	v5 =	vadd.s32 v5, v11  }
0x79: {  	vm13 =	vgt.s32 v15, v4;
	v63 =	vmpcnt.ones.xlane vm10;
	[tilespmem:s11+$0x4000] =	vst.msk vm1, v8;
	s11 =	sadd.s32 s11, s13;
	v5 =	vadd.s32 v14, v5;
	s28 =	spop (v2sf)  }
0x7a: {  	vm11 =	vmmov vm3;
	[tilespmem:s11+$0x4000] =	vst.msk vm0, v7;
	v7 =	vmpcnt.ones.xlane vm12;
	v5 =	vadd.s32 v5, v62;
	s11 =	sadd.s32 s11, s28;
	s29 =	spop (v2sf)  }
0x7b: {  	vm14 =	vmmov vm4;
	v5 =	vadd.s32 v63, v5;
	[tilespmem:s11+$0x4000] =	vst.msk vm2, v6;
	s11 =	sadd.s32 s11, s29;
	v6 =	vmpcnt.ones.xlane vm13;
	s30 =	spop (v2sf)  }
0x7c: {  	vm15 =	vmmov vm14;
	v5 =	vadd.s32 v5, v7;
	[tilespmem:s11+$0x4000] =	vst.msk vm11, v10;
	s11 =	sadd.s32 s11, s30;
	s31 =	spop (v2sf)  }
0x7d: {  	s14 =	simm.s32 $0x0;
	v5 =	vadd.s32 v6, v5;
	[tilespmem:s11+$0x4000] =	vst.msk vm15, v9;
	s13 =	sadd.s32 s11, s31;
	s11 =	simm.s32 $0x40  }
.LBB2_11:
0x7e: {  	p0 =	sne.s32 s11, $0x3C0;
	[tilespmem:s14+$0x8100] =	vst v0;
	s12 =	smov.u32 s11;
	s11 =	sadd.s32 $0x40, s11  }
.Ltmp5:
0x7f: {  	(pc) =	sbr.rel @p0 .LBB2_11-.Ltmp5, $2  }
0x80: {  	_ =	sdelay $0x2  }
0x81: {  	s14 =	sshra.s32 s12, $0x2  }
0x82: {  	s11 =	sadd.s32 $0xF, s13  }
0x83: {  	s12 =	sand.u32 $0xF, s11  }
0x84: {  	s31 =	sshra.s32 s11, $0x1F;
	p1 =	slt.s32 s11, $0x1;
	p0 =	sne.s32 s12, $0x0  }
0x85: {  	s12 =	sshrl.u32 s31, $0x1C;
	p0 =	por !p1, !p0  }
0x86: {  	s11 =	sadd.s32 s12, s11;
	s12 =	simm.s32 $0x1;
	p0 =	por !p0, !p0  }
0x87: {  	s11 =	sshra.s32 s11, $0x4;
	s12 =	simm.s32 @!p0 $0x0  }
0x88: {  	s11 =	ssub.s32 s11, s12  }
0x89: {  	s12 =	sshrl.u32 s11, $0x1D  }
0x8a: {  	s12 =	sadd.s32 s12, s11  }
0x8b: {  	s12 =	sand.u32 $0xFFFFFFF8, s12  }
0x8c: {  	p0 =	slt.s32 s12, $0x1  }
.Ltmp6:
0x8d: {  	_ = 	snop;
	(pc) =	sbr.rel @p0 .LBB2_16-.Ltmp6, $2  }
0x8e: {  	_ =	sdelay $0x2  }
0x8f: {  	[tilespmem:s14+$0x8100] =	vst v0;
	v6 =	vmov s13  }
0x90: {  	s15 =	simm.s32 $0x4040  }
0x91: {  	v7 =	vld [tilespmem:s15+$0xFFFFFFD0]  }
0x92: {  	v9 =	vld [tilespmem:s15+$0xFFFFFFC0]  }
0x93: {  	v10 =	vld [tilespmem:s15+$0x30]  }
0x94: {  	s14 =	simm.s32 $0x10;
	v12 =	vld [tilespmem:s15+$0x20]  }
0x95: {  	v8 =	vor.u32 s14, v2;
	v15 =	vld [tilespmem:s15+$0x0]  }
0x96: {  	s13 =	simm.s32 $0x70;
	s29 =	simm.s32 $0x0;
	v17 =	vld [tilespmem:s15+$0xFFFFFFE0];
	vm2 =	vlt.s32 v8, v6;
	v11 =	vshrl.u32 v7, $0xE  }
0x97: {  	s16 =	simm.s32 $0x30;
	p0 =	sgt.s32 s12, $0x8;
	v13 =	vor.u32 s13, v2;
	v8 =	vor.u32 s29, v2;
	v16 =	vand.u32 $0xFF, v11  }
.Ltmp7:
0x98: {  	s30 =	simm.s32 $0x60;
	vm0 =	vlt.s32 v13, v6;
	v7 =	vor.u32 s16, v2;
	v10 =	vshrl.u32 v10, $0xE;
	(pc) =	sbr.rel @!p0 .LBB2_15-.Ltmp7, $4  }
0x99: {  	v11 =	vand.u32 $0xFF, v10;
	v10 =	vshrl.u32 v12, $0xE;
	v12 =	vor.u32 s30, v2  }
0x9a: {  	s31 =	simm.s32 $0x20;
	v13 =	vld [tilespmem:s15+$0x10];
	v9 =	vshrl.u32 v9, $0xE;
	v18 =	vshrl.u32 v15, $0xE;
	vm1 =	vlt.s32 v12, v6  }
0x9b: {  	s17 =	simm.s32 $0x40;
	v14 =	vld [tilespmem:s15+$0xFFFFFFF0];
	v15 =	vshrl.u32 v17, $0xE;
	v10 =	vand.u32 $0xFF, v10;
	v12 =	vor.u32 s31, v2  }
0x9c: {  	s14 =	simm.s32 $0x8;
	s15 =	simm.s32 $0x50;
	s16 =	simm.s32 $0x40C0;
	v9 =	vand.u32 $0xFF, v9;
	[tilespmem:v16+s9+$0x0] =	vst.idx.add.s32.msk vm2, v1;
	vm2 =	vlt.s32 v12, v6;
	v12 =	vand.u32 $0xFF, v18  }
.LBB2_14:
0x9d: {  	v16 =	vld [tilespmem:s16+$0xFFFFFFD0];
	s14 =	sadd.s32 $0x8, s14;
	v15 =	vand.u32 $0xFF, v15;
	v17 =	vor.u32 s17, v2;
	s13 =	sadd.s32 $0x80, s13  }
0x9e: {  	s17 =	sadd.s32 $0xFFFFFF90, s13;
	s18 =	sadd.s32 $0xFFFFFFC0, s13;
	p0 =	slt.s32 s14, s12;
	vm3 =	vlt.s32 v17, v6;
	[tilespmem:v11+s9+$0x0] =	vst.idx.add.s32.msk vm0, v1  }
0x9f: {  	v11 =	vld [tilespmem:s16+$0xFFFFFFC0];
	v17 =	vor.u32 s17, v2;
	v18 =	vor.u32 s18, v2;
	s17 =	sadd.s32 $0xFFFFFFE0, s13;
	v13 =	vshrl.u32 v13, $0xE  }
0xa0: {  	vm0 =	vlt.s32 v8, v6;
	v14 =	vshrl.u32 v14, $0xE;
	[tilespmem:v10+s9+$0x0] =	vst.idx.add.s32.msk vm1, v1;
	v8 =	vmov v17  }
0xa1: {  	v17 =	vor.u32 s15, v2;
	s15 =	smov.u32 s17;
	v10 =	vld [tilespmem:s16+$0x30]  }
0xa2: {  	vm1 =	vlt.s32 v7, v6;
	v7 =	vmov v18;
	[tilespmem:v15+s9+$0x0] =	vst.idx.add.s32.msk vm2, v1;
	vm2 =	vlt.s32 v17, v6  }
0xa3: {  	v13 =	vand.u32 $0xFF, v13;
	v14 =	vand.u32 $0xFF, v14;
	v15 =	vld [tilespmem:s16+$0x20]  }
0xa4: {  	s17 =	sadd.s32 $0xFFFFFFA0, s13;
	[tilespmem:v12+s9+$0x0] =	vst.idx.add.s32.msk vm3, v1  }
0xa5: {  	v18 =	vor.u32 s13, v2;
	v12 =	vor.u32 s17, v2;
	v17 =	vld [tilespmem:s16+$0x0]  }
0xa6: {  	v16 =	vshrl.u32 v16, $0xE;
	s17 =	sadd.s32 $0xFFFFFFF0, s13;
	vm3 =	vlt.s32 v12, v6;
	v10 =	vshrl.u32 v10, $0xE;
	[tilespmem:v9+s9+$0x0] =	vst.idx.add.s32.msk vm0, v1  }
0xa7: {  	v12 =	vand.u32 $0xFF, v16;
	v9 =	vshrl.u32 v11, $0xE;
	v16 =	vld [tilespmem:s16+$0xFFFFFFE0];
	v11 =	vand.u32 $0xFF, v10  }
.Ltmp8:
0xa8: {  	vm0 =	vlt.s32 v18, v6;
	v9 =	vand.u32 $0xFF, v9;
	v10 =	vshrl.u32 v15, $0xE;
	[tilespmem:v14+s9+$0x0] =	vst.idx.add.s32.msk vm1, v1;
	(pc) =	sbr.rel @p0 .LBB2_14-.Ltmp8, $4  }
0xa9: {  	v14 =	vor.u32 s17, v2;
	v10 =	vand.u32 $0xFF, v10;
	[tilespmem:v13+s9+$0x0] =	vst.idx.add.s32.msk vm2, v1  }
0xaa: {  	s17 =	sadd.s32 $0xFFFFFFB0, s13;
	vm1 =	vlt.s32 v14, v6;
	v13 =	vld [tilespmem:s16+$0x10]  }
0xab: {  	v18 =	vor.u32 s17, v2;
	v17 =	vshrl.u32 v17, $0xE;
	v14 =	vld [tilespmem:s16+$0xFFFFFFF0]  }
0xac: {  	s17 =	sadd.s32 $0xFFFFFFD0, s13;
	vm2 =	vlt.s32 v18, v6;
	s16 =	sadd.s32 $0x80, s16;
	[tilespmem:v12+s9+$0x0] =	vst.idx.add.s32.msk vm3, v1;
	v15 =	vshrl.u32 v16, $0xE;
	v12 =	vand.u32 $0xFF, v17  }
.LBB2_15:
0xad: {  	_ =	sdelay $0x1  }
0xae: {  	v16 =	vor.u32 s17, v2;
	v15 =	vand.u32 $0xFF, v15;
	vm4 =	vlt.s32 v8, v6  }
0xaf: {  	v63 =	vor.u32 s15, v2;
	vm3 =	vlt.s32 v16, v6  }
0xb0: {  	vm5 =	vlt.s32 v7, v6;
	vm15 =	vlt.s32 v63, v6;
	v7 =	vshrl.u32 v13, $0xE  }
0xb1: {  	[tilespmem:v11+s9+$0x0] =	vst.idx.add.s32.msk vm0, v1;
	v8 =	vshrl.u32 v14, $0xE;
	v7 =	vand.u32 $0xFF, v7  }
0xb2: {  	[tilespmem:v10+s9+$0x0] =	vst.idx.add.s32.msk vm1, v1;
	v8 =	vand.u32 $0xFF, v8  }
0xb3: {  	[tilespmem:v15+s9+$0x0] =	vst.idx.add.s32.msk vm2, v1  }
0xb4: {  	[tilespmem:v9+s9+$0x0] =	vst.idx.add.s32.msk vm4, v1  }
0xb5: {  	[tilespmem:v12+s9+$0x0] =	vst.idx.add.s32.msk vm3, v1  }
0xb6: {  	[tilespmem:v7+s9+$0x0] =	vst.idx.add.s32.msk vm15, v1  }
0xb7: {  	[tilespmem:v8+s9+$0x0] =	vst.idx.add.s32.msk vm5, v1  }
.LBB2_16:
0xb8: {  	s13 =	ssub.s32 s11, s12  }
0xb9: {  	p0 =	sgt.s32 s13, $0x0  }
.Ltmp9:
0xba: {  	_ = 	snop;
	(pc) =	sbr.rel @!p0 .LBB2_17-.Ltmp9, $1  }
0xbb: {  	_ =	sdelay $0x3  }
0xbc: {  	s13 =	sshll.u32 s12, $0x6  }
0xbd: {  	s13 =	sshra.s32 s13, $0x2  }
0xbe: {  	s14 =	sshll.u32 s12, $0x4;
	s13 =	sadd.s32 $0x4000, s13  }
.LBB2_47:
0xbf: {  	v7 =	vld [tilespmem:s13+$0x0];
	_ =	sdelay $0x3  }
0xc0: {  	v8 =	vor.u32 s14, v2  }
0xc1: {  	s12 =	sadd.s32 $0x1, s12;
	vm0 =	vlt.s32 v8, v6;
	v7 =	vshrl.u32 v7, $0xE  }
0xc2: {  	p0 =	slt.s32 s12, s11;
	v7 =	vand.u32 $0xFF, v7  }
.Ltmp10:
0xc3: {  	_ = 	snop;
	(pc) =	sbr.rel @p0 .LBB2_47-.Ltmp10, $2  }
0xc4: {  	_ =	sdelay $0x2  }
0xc5: {  	s13 =	sadd.s32 $0x10, s13;
	s14 =	sadd.s32 $0x10, s14;
	[tilespmem:v7+s9+$0x0] =	vst.idx.add.s32.msk vm0, v1  }
.LBB2_17:
0xc6: {  	s12 =	simm.s32 $0x8100  }
0xc7: {  	v9 =	vld [tilespmem:s12+$0x0];
	_ =	sdelay $0x4  }
0xc8: {  	s30 =	simm.s32 $0x8110;
	(xrf0) =	vadd.scan.msk.s32 $0xffff, v9  }
0xc9: {  	v9 =	vld [tilespmem:s30+$0x0];
	_ =	sdelay $0x3  }
0xca: {  	v7 =	vadd.s32 v6, v5;
	s31 =	simm.s32 $0x8120  }
0xcb: {  	v8 =	vadd.s32 $0xFFFFF000, v7;
	v7 =	vimm.s32 $0x0;
	v11 =	vld [tilespmem:s31+$0x0];
	(xrf0) =	vadd.scan.msk.s32 $0xffff, v9;
	v10, _, _ =	vpop (xrf0)  }
0xcc: {  	v9 =	vadd.s32 v7, v10  }
0xcd: {  	vm0 =	vgt.s32 v9, v8  }
0xce: {  	v10 =	vbroadcast v10, $0xF;
	v9 =	vmctz.xlane vm0  }
0xcf: {  	v4 =	vshll.u32 v4, $0x16;
	vm0 =	vlt.s32 v7, $0x1  }
0xd0: {  	s13 =	simm.s32 $0x0;
	s14 =	simm.s32 $0x30;
	(xrf0) =	vadd.scan.msk.s32 $0xffff, v11;
	v11 =	vadd.s32 v7, v10;
	v10 =	vimm.s32 $0x0;
	vm1 =	vlt.s32 v9, $0x10  }
0xd1: {  	s15 =	simm.s32 $0x8130;
	s12 =	simm.s32 $0x10;
	v9 =	vadd.s32 s13, v9;
	s13 =	simm.s32 $0x20;
	v12, _, _ =	vpop (xrf0);
	vm0 =	vmand vm0, vm1;
	v13 =	vsel vm1, $0x1, v0  }
.LBB2_18:
0xd2: {  	v14 =	vld [tilespmem:s15+$0x0];
	p0 =	sne.s32 s14, $0xF0;
	v15 =	vadd.s32 v11, v12;
	v7 =	vsel vm0, v9, v7;
	v10 =	vor.u32 v13, v10;
	s16 =	smov.u32 s14;
	s14 =	sadd.s32 $0x10, s14  }
.Ltmp11:
0xd3: {  	vm0 =	vgt.s32 v15, v8;
	vm1 =	vlt.s32 v10, $0x1;
	(pc) =	sbr.rel @p0 .LBB2_18-.Ltmp11, $4  }
0xd4: {  	v9 =	vmctz.xlane vm0  }
0xd5: {  	v13 =	vbroadcast v12, $0xF  }
0xd6: {  	vm2 =	vlt.s32 v9, $0x10;
	v9 =	vadd.s32 s12, v9;
	s12 =	smov.u32 s13;
	s13 =	smov.u32 s16  }
0xd7: {  	s15 =	sadd.s32 $0x10, s15;
	v11 =	vadd.s32 v11, v13;
	(xrf0) =	vadd.scan.msk.s32 $0xffff, v14;
	v12, _, _ =	vpop (xrf0);
	vm0 =	vmand vm1, vm2;
	v13 =	vsel vm2, $0x1, v0  }
0xd8: {  	_ =	sdelay $0x2  }
0xd9: {  	v14 =	vadd.s32 v11, v12;
	v61 =	vbroadcast v12, $0xF  }
0xda: {  	vm1 =	vgt.s32 v14, v8  }
0xdb: {  	v14 =	vmctz.xlane vm1;
	v11 =	vadd.s32 v11, v61;
	v62, _, _ =	vpop (xrf0)  }
0xdc: {  	s31 =	sshrl.u32 s11, $0x1F;
	v11 =	vadd.s32 v11, v62  }
0xdd: {  	vm2 =	vgt.s32 v11, v8;
	v8 =	vadd.s32 s12, v14;
	s12 =	sadd.s32 s31, s11  }
0xde: {  	s12 =	sand.u32 $0xFFFFFFFE, s12  }
0xdf: {  	vm1 =	vlt.s32 v14, $0x10;
	p0 =	slt.s32 s12, $0x1  }
.Ltmp12:
0xe0: {  	v10 =	vor.u32 v13, v10;
	v11 =	vsel vm1, $0x1, v0;
	v63 =	vmctz.xlane vm2;
	(pc) =	sbr.rel @p0 .LBB2_20-.Ltmp12, $4  }
0xe1: {  	v7 =	vsel vm0, v9, v7;
	vm13 =	vlt.s32 v10, $0x1;
	v9 =	vor.u32 v11, v10  }
0xe2: {  	vm0 =	vmand vm13, vm1;
	vm14 =	vlt.s32 v9, $0x1;
	vm2 =	vlt.s32 v63, $0x10  }
0xe3: {  	v7 =	vsel vm0, v8, v7;
	v8 =	vadd.s32 s13, v63;
	vm15 =	vmand vm14, vm2  }
0xe4: {  	v8 =	vsel vm15, v8, v7  }
0xe5: {  	s15 =	simm.s32 $0x4010  }
0xe6: {  	v13 =	vld [tilespmem:s15+$0xFFFFFFF0]  }
0xe7: {  	v7 =	vld [tilespmem:s15+$0x0];
	_ =	sdelay $0x2  }
0xe8: {  	s31 =	simm.s32 $0x0;
	p1 =	sgt.s32 s12, $0x2  }
.Ltmp13:
0xe9: {  	v9 =	vor.u32 s31, v2;
	v10 =	vshrl.u32 v13, $0xE;
	(pc) =	sbr.rel @!p1 .LBB2_49-.Ltmp13, $4  }
0xea: {  	s14 =	simm.s32 $0x10;
	vm2 =	vlt.s32 v9, v6;
	v9 =	vshrl.u32 v7, $0xE;
	v10 =	vand.u32 $0xFF, v10  }
0xeb: {  	v11 =	vor.u32 s14, v2;
	v9 =	vand.u32 $0xFF, v9;
	vm0 =	veq.s32 v10, v8  }
0xec: {  	vm3 =	vlt.s32 v11, v6;
	vm5 =	vmand vm2, vm0;
	vm0 =	veq.s32 v9, v8  }
0xed: {  	s13 =	simm.s32 $0x0;
	p0 =	por $0x0, $0x0;
	s14 =	simm.s32 $0x4030;
	v16 =	vmpcnt.ones.xlane vm5;
	vm4 =	vmand vm3, vm0  }
0xee: {  	v11 =	vld [tilespmem:s14+$0xFFFFFFF0]  }
0xef: {  	v12 =	vld [tilespmem:s14+$0x0];
	v14 =	vmpcnt.ones.xlane vm4  }
0xf0: {  	(v2sf) =	vpush v16, $0x0  }
0xf1: {  	(v2sf) =	vpush v14, $0x0  }
0xf2: {  	vm6 =	vmmov vm3;
	vm0 =	vmmov vm2;
	vm7 =	vmmov vm5;
	s31 =	simm.s32 $0x20;
	p1 =	sgt.s32 s12, $0x4  }
.Ltmp14:
0xf3: {  	vm1 =	vmmov vm4;
	v14 =	vor.u32 s31, v2;
	v15 =	vshrl.u32 v11, $0xE;
	(pc) =	sbr.rel @!p1 .LBB2_51-.Ltmp14, $4  }
0xf4: {  	s15 =	simm.s32 $0x30;
	vm2 =	vlt.s32 v14, v6;
	v14 =	vshrl.u32 v12, $0xE;
	v15 =	vand.u32 $0xFF, v15  }
0xf5: {  	v16 =	vor.u32 s15, v2;
	v17 =	vand.u32 $0xFF, v14;
	vm4 =	veq.s32 v15, v8  }
0xf6: {  	s16 =	simm.s32 $0x4;
	vm3 =	vlt.s32 v16, v6;
	vm5 =	vmand vm2, vm4;
	vm4 =	veq.s32 v17, v8  }
0xf7: {  	s17 =	simm.s32 $0x4050;
	p0 =	por $0x1, $0x1;
	s14 =	simm.s32 $0x0;
	[tilespmem:s13+$0x6080] =	vst.msk vm7, v13;
	vm6 =	vmmov vm6;
	v14 =	vmovc v5;
	v16 =	vmpcnt.ones.xlane vm5;
	vm4 =	vmand vm3, vm4  }
.LBB2_52:
0xf8: {  	v18 =	vmpcnt.ones.xlane vm4;
	vm7 =	vmmov vm3;
	vm10 =	vmmov vm0  }
0xf9: {  	v13 =	vld [tilespmem:s17+$0xFFFFFFF0];
	s16 =	sadd.s32 $0x2, s16;
	vm0 =	vmmov vm2;
	vm8 =	vmmov vm5;
	vm9 =	vmmov vm1  }
0xfa: {  	s15 =	sadd.s32 $0x20, s15;
	vm1 =	vmmov vm4;
	v19 =	vld [tilespmem:s17+$0x0];
	p1 =	slt.s32 s16, s12;
	(v2sf) =	vpush v16, $0x0  }
0xfb: {  	s18 =	sadd.s32 $0xFFFFFFF0, s15;
	v16 =	vor.u32 s15, v2;
	(v2sf) =	vpush v18, $0x0  }
0xfc: {  	vm4 =	vgt.s32 v10, v8;
	v10 =	vmovc v15;
	v18 =	vor.u32 s18, v2;
	vm3 =	vlt.s32 v16, v6  }
0xfd: {  	vm5 =	vgt.s32 v9, v8;
	v9 =	vmovc v17;
	vm4 =	vmand vm10, vm4;
	vm2 =	vlt.s32 v18, v6  }
.Ltmp15:
0xfe: {  	v16 =	vmpcnt.ones.xlane vm4;
	vm4 =	vmand vm6, vm5;
	v15 =	vshrl.u32 v13, $0xE;
	(pc) =	sbr.rel @p1 .LBB2_52-.Ltmp15, $4  }
0xff: {  	v18 =	vmpcnt.ones.xlane vm4;
	v15 =	vand.u32 $0xFF, v15;
	v17 =	vshrl.u32 v19, $0xE;
	s18 =	spop (v2sf)  }
0x100: {  	v14 =	vadd.s32 v14, v16;
	vm4 =	veq.s32 v15, v8;
	v17 =	vand.u32 $0xFF, v17;
	s14 =	sadd.s32 s14, s18;
	s18 =	spop (v2sf)  }
0x101: {  	v14 =	vadd.s32 v18, v14;
	vm5 =	vmand vm2, vm4;
	vm4 =	veq.s32 v17, v8;
	[tilespmem:s14+$0x6080] =	vst.msk vm9, v7;
	s14 =	sadd.s32 s14, s18;
	v7 =	vmovc v12  }
0x102: {  	s17 =	sadd.s32 $0x20, s17;
	vm6 =	vmmov vm7;
	v12 =	vmovc v19;
	v16 =	vmpcnt.ones.xlane vm5;
	vm4 =	vmand vm3, vm4;
	[tilespmem:s14+$0x6080] =	vst.msk vm8, v11;
	v11 =	vmovc v13  }
0x103: {  	v19 =	vmov v10;
	v20 =	vmov v9  }
0x104: {  	v18 =	vmovc v7;
	v10 =	vmovc v15;
	v9 =	vmov v17;
	v7 =	vmov v12;
	v13 =	vmov v11  }
.LBB2_54:
0x105: {  	v11 =	vmpcnt.ones.xlane vm4  }
0x106: {  	(v2sf) =	vpush v16, $0x0  }
0x107: {  	(v2sf) =	vpush v11, $0x0;
	_ =	sdelay $0x6  }
0x108: {  	vm0 =	vmmov @p0 vm0;
	vm7 =	vgt.s32 @p0 v19, v8  }
0x109: {  	vm3 =	vmmov vm3;
	vm2 =	vmmov vm2;
	vm5 =	vmmov vm5  }
0x10a: {  	vm1 =	vmmov @p0 vm1;
	vm0 =	vmand @p0 vm0, vm7;
	vm7 =	vgt.s32 @p0 v20, v8  }
0x10b: {  	vm11 =	vgt.s32 v10, v8;
	v11 =	vmpcnt.ones.xlane @p0 vm0;
	vm0 =	vmand @p0 vm6, vm7  }
0x10c: {  	vm12 =	vgt.s32 v9, v8;
	vm10 =	vmmov vm2;
	v12 =	vmpcnt.ones.xlane @p0 vm0;
	s15 =	spop @p0 (v2sf)  }
.Ltmp16:
0x10d: {  	vm3 =	vmmov vm3;
	vm0 =	vmand vm10, vm11;
	v11 =	vadd.s32 @p0 v14, v11;
	s14 =	sadd.s32 @p0 s14, s15;
	s15 =	spop @p0 (v2sf);
	(pc) =	sbr.rel .LBB2_21-.Ltmp16, $4  }
0x10e: {  	vm13 =	vmand vm3, vm12;
	v10 =	vmpcnt.ones.xlane vm0;
	v9 =	vadd.s32 @p0 v12, v11;
	s15 =	sadd.s32 @p0 s14, s15  }
0x10f: {  	vm14 =	vmmov vm4;
	[tilespmem:s14+$0x6080] =	vst.msk @p0 vm1, v18;
	v5 =	vpsel p0, v9, v5;
	v9 =	vmpcnt.ones.xlane vm13;
	s13 =	smov.u32 @p0 s15;
	s30 =	spop (v2sf)  }
0x110: {  	vm15 =	vmmov vm14;
	v5 =	vadd.s32 v5, v10;
	[tilespmem:s13+$0x6080] =	vst.msk vm5, v13;
	s13 =	sadd.s32 s13, s30;
	s31 =	spop (v2sf)  }
0x111: {  	v5 =	vadd.s32 v9, v5;
	[tilespmem:s13+$0x6080] =	vst.msk vm15, v7;
	s14 =	sadd.s32 s13, s31  }
.LBB2_20:
0x112: {  	s14 =	simm.s32 $0x0  }
.LBB2_21:
0x113: {  	s11 =	ssub.s32 s11, s12  }
0x114: {  	p0 =	slt.s32 s11, $0x1  }
0x115: {  	s11 =	sshll.u32 @!p0 s12, $0x4  }
0x116: {  	v7 =	vld @!p0 [tilespmem:s11+$0x4000];
	_ =	sdelay $0x4  }
0x117: {  	v10 =	vlaneseq.u32 @!p0;
	v9 =	vshrl.u32 @!p0 v7, $0xE  }
0x118: {  	v10 =	vor.u32 @!p0 s11, v10;
	v9 =	vand.u32 @!p0 $0xFF, v9  }
0x119: {  	vm0 =	vlt.s32 @!p0 v10, v6;
	vm1 =	veq.s32 @!p0 v9, v8  }
0x11a: {  	vm1 =	vmand @!p0 vm0, vm1  }
0x11b: {  	v6 =	vmpcnt.ones.xlane @!p0 vm1;
	_ =	sdelay $0x1  }
0x11c: {  	(v2sf) =	vpush @!p0 v6, $0x0;
	_ =	sdelay $0xb  }
0x11d: {  	vm2 =	vgt.s32 @!p0 v9, v8  }
0x11e: {  	vm0 =	vmand @!p0 vm0, vm2  }
0x11f: {  	v6 =	vmpcnt.ones.xlane @!p0 vm0  }
0x120: {  	s11 =	spop @!p0 (v2sf)  }
0x121: {  	v6 =	vadd.s32 @!p0 v5, v6;
	s13 =	sadd.s32 @!p0 s14, s11  }
0x122: {  	[tilespmem:s14+$0x6080] =	vst.msk @!p0 vm1, v7;
	v5 =	vpsel p0, v5, v6;
	s11 =	simm.s32 $0x40;
	s13 =	smov.u32 @p0 s14;
	s14 =	simm.s32 $0x0  }
.LBB2_22:
0x123: {  	p0 =	sne.s32 s11, $0x3C0;
	[tilespmem:s14+$0x8100] =	vst v0;
	s12 =	smov.u32 s11;
	s11 =	sadd.s32 $0x40, s11  }
.Ltmp17:
0x124: {  	(pc) =	sbr.rel @p0 .LBB2_22-.Ltmp17, $2  }
0x125: {  	_ =	sdelay $0x2  }
0x126: {  	s14 =	sshra.s32 s12, $0x2  }
0x127: {  	s11 =	sadd.s32 $0xF, s13  }
0x128: {  	s12 =	sand.u32 $0xF, s11  }
0x129: {  	s31 =	sshra.s32 s11, $0x1F;
	p1 =	slt.s32 s11, $0x1;
	p0 =	sne.s32 s12, $0x0  }
0x12a: {  	s12 =	sshrl.u32 s31, $0x1C;
	p0 =	por !p1, !p0  }
0x12b: {  	s11 =	sadd.s32 s12, s11;
	s12 =	simm.s32 $0x1;
	p0 =	por !p0, !p0  }
0x12c: {  	s11 =	sshra.s32 s11, $0x4;
	s12 =	simm.s32 @!p0 $0x0  }
0x12d: {  	s11 =	ssub.s32 s11, s12  }
0x12e: {  	s12 =	sshrl.u32 s11, $0x1D  }
0x12f: {  	s12 =	sadd.s32 s12, s11  }
0x130: {  	s12 =	sand.u32 $0xFFFFFFF8, s12  }
0x131: {  	p0 =	slt.s32 s12, $0x1  }
.Ltmp18:
0x132: {  	_ = 	snop;
	(pc) =	sbr.rel @p0 .LBB2_27-.Ltmp18, $2  }
0x133: {  	_ =	sdelay $0x2  }
0x134: {  	[tilespmem:s14+$0x8100] =	vst v0;
	v7 =	vmov s13  }
0x135: {  	s15 =	simm.s32 $0x60C0  }
0x136: {  	v6 =	vld [tilespmem:s15+$0xFFFFFFD0]  }
0x137: {  	v10 =	vld [tilespmem:s15+$0xFFFFFFC0]  }
0x138: {  	v11 =	vld [tilespmem:s15+$0x30]  }
0x139: {  	s14 =	simm.s32 $0x10;
	v13 =	vld [tilespmem:s15+$0x20]  }
0x13a: {  	v9 =	vor.u32 s14, v2;
	v16 =	vld [tilespmem:s15+$0x0]  }
0x13b: {  	s13 =	simm.s32 $0x70;
	s29 =	simm.s32 $0x0;
	v18 =	vld [tilespmem:s15+$0xFFFFFFE0];
	vm2 =	vlt.s32 v9, v7;
	v12 =	vshrl.u32 v6, $0x6  }
0x13c: {  	s16 =	simm.s32 $0x30;
	p0 =	sgt.s32 s12, $0x8;
	v14 =	vor.u32 s13, v2;
	v9 =	vor.u32 s29, v2;
	v17 =	vand.u32 $0xFF, v12  }
.Ltmp19:
0x13d: {  	s30 =	simm.s32 $0x60;
	vm0 =	vlt.s32 v14, v7;
	v6 =	vor.u32 s16, v2;
	v11 =	vshrl.u32 v11, $0x6;
	(pc) =	sbr.rel @!p0 .LBB2_26-.Ltmp19, $4  }
0x13e: {  	v12 =	vand.u32 $0xFF, v11;
	v11 =	vshrl.u32 v13, $0x6;
	v13 =	vor.u32 s30, v2  }
0x13f: {  	s31 =	simm.s32 $0x20;
	v14 =	vld [tilespmem:s15+$0x10];
	v10 =	vshrl.u32 v10, $0x6;
	v19 =	vshrl.u32 v16, $0x6;
	vm1 =	vlt.s32 v13, v7  }
0x140: {  	s17 =	simm.s32 $0x40;
	v15 =	vld [tilespmem:s15+$0xFFFFFFF0];
	v16 =	vshrl.u32 v18, $0x6;
	v11 =	vand.u32 $0xFF, v11;
	v13 =	vor.u32 s31, v2  }
0x141: {  	s14 =	simm.s32 $0x8;
	s15 =	simm.s32 $0x50;
	s16 =	simm.s32 $0x6140;
	v10 =	vand.u32 $0xFF, v10;
	[tilespmem:v17+s9+$0x0] =	vst.idx.add.s32.msk vm2, v1;
	vm2 =	vlt.s32 v13, v7;
	v13 =	vand.u32 $0xFF, v19  }
.LBB2_25:
0x142: {  	v17 =	vld [tilespmem:s16+$0xFFFFFFD0];
	s14 =	sadd.s32 $0x8, s14;
	v16 =	vand.u32 $0xFF, v16;
	v18 =	vor.u32 s17, v2;
	s13 =	sadd.s32 $0x80, s13  }
0x143: {  	s17 =	sadd.s32 $0xFFFFFF90, s13;
	s18 =	sadd.s32 $0xFFFFFFC0, s13;
	p0 =	slt.s32 s14, s12;
	vm3 =	vlt.s32 v18, v7;
	[tilespmem:v12+s9+$0x0] =	vst.idx.add.s32.msk vm0, v1  }
0x144: {  	v12 =	vld [tilespmem:s16+$0xFFFFFFC0];
	v18 =	vor.u32 s17, v2;
	v19 =	vor.u32 s18, v2;
	s17 =	sadd.s32 $0xFFFFFFE0, s13;
	v14 =	vshrl.u32 v14, $0x6  }
0x145: {  	vm0 =	vlt.s32 v9, v7;
	v15 =	vshrl.u32 v15, $0x6;
	[tilespmem:v11+s9+$0x0] =	vst.idx.add.s32.msk vm1, v1;
	v9 =	vmov v18  }
0x146: {  	v18 =	vor.u32 s15, v2;
	s15 =	smov.u32 s17;
	v11 =	vld [tilespmem:s16+$0x30]  }
0x147: {  	vm1 =	vlt.s32 v6, v7;
	v6 =	vmov v19;
	[tilespmem:v16+s9+$0x0] =	vst.idx.add.s32.msk vm2, v1;
	vm2 =	vlt.s32 v18, v7  }
0x148: {  	v14 =	vand.u32 $0xFF, v14;
	v15 =	vand.u32 $0xFF, v15;
	v16 =	vld [tilespmem:s16+$0x20]  }
0x149: {  	s17 =	sadd.s32 $0xFFFFFFA0, s13;
	[tilespmem:v13+s9+$0x0] =	vst.idx.add.s32.msk vm3, v1  }
0x14a: {  	v19 =	vor.u32 s13, v2;
	v13 =	vor.u32 s17, v2;
	v18 =	vld [tilespmem:s16+$0x0]  }
0x14b: {  	v17 =	vshrl.u32 v17, $0x6;
	s17 =	sadd.s32 $0xFFFFFFF0, s13;
	vm3 =	vlt.s32 v13, v7;
	v11 =	vshrl.u32 v11, $0x6;
	[tilespmem:v10+s9+$0x0] =	vst.idx.add.s32.msk vm0, v1  }
0x14c: {  	v13 =	vand.u32 $0xFF, v17;
	v10 =	vshrl.u32 v12, $0x6;
	v17 =	vld [tilespmem:s16+$0xFFFFFFE0];
	v12 =	vand.u32 $0xFF, v11  }
.Ltmp20:
0x14d: {  	vm0 =	vlt.s32 v19, v7;
	v10 =	vand.u32 $0xFF, v10;
	v11 =	vshrl.u32 v16, $0x6;
	[tilespmem:v15+s9+$0x0] =	vst.idx.add.s32.msk vm1, v1;
	(pc) =	sbr.rel @p0 .LBB2_25-.Ltmp20, $4  }
0x14e: {  	v15 =	vor.u32 s17, v2;
	v11 =	vand.u32 $0xFF, v11;
	[tilespmem:v14+s9+$0x0] =	vst.idx.add.s32.msk vm2, v1  }
0x14f: {  	s17 =	sadd.s32 $0xFFFFFFB0, s13;
	vm1 =	vlt.s32 v15, v7;
	v14 =	vld [tilespmem:s16+$0x10]  }
0x150: {  	v19 =	vor.u32 s17, v2;
	v18 =	vshrl.u32 v18, $0x6;
	v15 =	vld [tilespmem:s16+$0xFFFFFFF0]  }
0x151: {  	s17 =	sadd.s32 $0xFFFFFFD0, s13;
	vm2 =	vlt.s32 v19, v7;
	s16 =	sadd.s32 $0x80, s16;
	[tilespmem:v13+s9+$0x0] =	vst.idx.add.s32.msk vm3, v1;
	v16 =	vshrl.u32 v17, $0x6;
	v13 =	vand.u32 $0xFF, v18  }
.LBB2_26:
0x152: {  	_ =	sdelay $0x1  }
0x153: {  	v17 =	vor.u32 s17, v2;
	v16 =	vand.u32 $0xFF, v16;
	vm4 =	vlt.s32 v9, v7  }
0x154: {  	v63 =	vor.u32 s15, v2;
	vm3 =	vlt.s32 v17, v7  }
0x155: {  	vm5 =	vlt.s32 v6, v7;
	vm15 =	vlt.s32 v63, v7;
	v6 =	vshrl.u32 v14, $0x6  }
0x156: {  	[tilespmem:v12+s9+$0x0] =	vst.idx.add.s32.msk vm0, v1;
	v9 =	vshrl.u32 v15, $0x6;
	v6 =	vand.u32 $0xFF, v6  }
0x157: {  	[tilespmem:v11+s9+$0x0] =	vst.idx.add.s32.msk vm1, v1;
	v9 =	vand.u32 $0xFF, v9  }
0x158: {  	[tilespmem:v16+s9+$0x0] =	vst.idx.add.s32.msk vm2, v1  }
0x159: {  	[tilespmem:v10+s9+$0x0] =	vst.idx.add.s32.msk vm4, v1  }
0x15a: {  	[tilespmem:v13+s9+$0x0] =	vst.idx.add.s32.msk vm3, v1  }
0x15b: {  	[tilespmem:v6+s9+$0x0] =	vst.idx.add.s32.msk vm15, v1  }
0x15c: {  	[tilespmem:v9+s9+$0x0] =	vst.idx.add.s32.msk vm5, v1  }
.LBB2_27:
0x15d: {  	s13 =	ssub.s32 s11, s12  }
0x15e: {  	p0 =	sgt.s32 s13, $0x0  }
.Ltmp21:
0x15f: {  	_ = 	snop;
	(pc) =	sbr.rel @!p0 .LBB2_28-.Ltmp21, $1  }
0x160: {  	_ =	sdelay $0x3  }
0x161: {  	s13 =	sshll.u32 s12, $0x6  }
0x162: {  	s13 =	sshra.s32 s13, $0x2  }
0x163: {  	s14 =	sshll.u32 s12, $0x4;
	s13 =	sadd.s32 $0x6080, s13  }
.LBB2_56:
0x164: {  	v6 =	vld [tilespmem:s13+$0x0];
	_ =	sdelay $0x3  }
0x165: {  	v9 =	vor.u32 s14, v2  }
0x166: {  	s12 =	sadd.s32 $0x1, s12;
	vm0 =	vlt.s32 v9, v7;
	v6 =	vshrl.u32 v6, $0x6  }
0x167: {  	p0 =	slt.s32 s12, s11;
	v6 =	vand.u32 $0xFF, v6  }
.Ltmp22:
0x168: {  	_ = 	snop;
	(pc) =	sbr.rel @p0 .LBB2_56-.Ltmp22, $2  }
0x169: {  	_ =	sdelay $0x2  }
0x16a: {  	s13 =	sadd.s32 $0x10, s13;
	s14 =	sadd.s32 $0x10, s14;
	[tilespmem:v6+s9+$0x0] =	vst.idx.add.s32.msk vm0, v1  }
.LBB2_28:
0x16b: {  	s12 =	simm.s32 $0x8100  }
0x16c: {  	v9 =	vld [tilespmem:s12+$0x0];
	_ =	sdelay $0x4  }
0x16d: {  	s30 =	simm.s32 $0x8110;
	(xrf0) =	vadd.scan.msk.s32 $0xffff, v9  }
0x16e: {  	v9 =	vld [tilespmem:s30+$0x0];
	_ =	sdelay $0x3  }
0x16f: {  	v6 =	vshll.u32 v8, $0xE;
	s31 =	simm.s32 $0x8120  }
0x170: {  	v8 =	vadd.s32 v7, v5;
	v6 =	vor.u32 v4, v6;
	v4 =	vimm.s32 $0x0;
	v11 =	vld [tilespmem:s31+$0x0];
	(xrf0) =	vadd.scan.msk.s32 $0xffff, v9;
	v10, _, _ =	vpop (xrf0)  }
0x171: {  	v8 =	vadd.s32 $0xFFFFF000, v8;
	v9 =	vadd.s32 v4, v10  }
0x172: {  	vm0 =	vgt.s32 v9, v8  }
0x173: {  	v10 =	vbroadcast v10, $0xF;
	v9 =	vmctz.xlane vm0  }
0x174: {  	vm0 =	vlt.s32 v4, $0x1  }
0x175: {  	s13 =	simm.s32 $0x0;
	s14 =	simm.s32 $0x30;
	(xrf0) =	vadd.scan.msk.s32 $0xffff, v11;
	v11 =	vadd.s32 v4, v10;
	v10 =	vimm.s32 $0x0;
	vm1 =	vlt.s32 v9, $0x10  }
0x176: {  	s15 =	simm.s32 $0x8130;
	s12 =	simm.s32 $0x10;
	v9 =	vadd.s32 s13, v9;
	s13 =	simm.s32 $0x20;
	v12, _, _ =	vpop (xrf0);
	vm0 =	vmand vm0, vm1;
	v13 =	vsel vm1, $0x1, v0  }
.LBB2_29:
0x177: {  	v14 =	vld [tilespmem:s15+$0x0];
	p0 =	sne.s32 s14, $0xF0;
	v15 =	vadd.s32 v11, v12;
	v4 =	vsel vm0, v9, v4;
	v10 =	vor.u32 v13, v10;
	s16 =	smov.u32 s14;
	s14 =	sadd.s32 $0x10, s14  }
.Ltmp23:
0x178: {  	vm0 =	vgt.s32 v15, v8;
	vm1 =	vlt.s32 v10, $0x1;
	(pc) =	sbr.rel @p0 .LBB2_29-.Ltmp23, $4  }
0x179: {  	v9 =	vmctz.xlane vm0  }
0x17a: {  	v13 =	vbroadcast v12, $0xF  }
0x17b: {  	vm2 =	vlt.s32 v9, $0x10;
	v9 =	vadd.s32 s12, v9;
	s12 =	smov.u32 s13;
	s13 =	smov.u32 s16  }
0x17c: {  	s15 =	sadd.s32 $0x10, s15;
	v11 =	vadd.s32 v11, v13;
	(xrf0) =	vadd.scan.msk.s32 $0xffff, v14;
	v12, _, _ =	vpop (xrf0);
	vm0 =	vmand vm1, vm2;
	v13 =	vsel vm2, $0x1, v0  }
0x17d: {  	_ =	sdelay $0x2  }
0x17e: {  	v14 =	vadd.s32 v11, v12;
	v61 =	vbroadcast v12, $0xF  }
0x17f: {  	vm1 =	vgt.s32 v14, v8  }
0x180: {  	v14 =	vmctz.xlane vm1;
	v11 =	vadd.s32 v11, v61;
	v62, _, _ =	vpop (xrf0)  }
0x181: {  	s31 =	sshrl.u32 s11, $0x1F;
	v11 =	vadd.s32 v11, v62  }
0x182: {  	vm2 =	vgt.s32 v11, v8;
	v8 =	vadd.s32 s12, v14;
	s12 =	sadd.s32 s31, s11  }
0x183: {  	s12 =	sand.u32 $0xFFFFFFFE, s12  }
0x184: {  	vm1 =	vlt.s32 v14, $0x10;
	p0 =	slt.s32 s12, $0x1  }
.Ltmp24:
0x185: {  	v10 =	vor.u32 v13, v10;
	v11 =	vsel vm1, $0x1, v0;
	v63 =	vmctz.xlane vm2;
	(pc) =	sbr.rel @p0 .LBB2_31-.Ltmp24, $4  }
0x186: {  	v4 =	vsel vm0, v9, v4;
	vm13 =	vlt.s32 v10, $0x1;
	v9 =	vor.u32 v11, v10  }
0x187: {  	vm0 =	vmand vm13, vm1;
	vm14 =	vlt.s32 v9, $0x1;
	vm2 =	vlt.s32 v63, $0x10  }
0x188: {  	v4 =	vsel vm0, v8, v4;
	v8 =	vadd.s32 s13, v63;
	vm15 =	vmand vm14, vm2  }
0x189: {  	v8 =	vsel vm15, v8, v4  }
0x18a: {  	s15 =	simm.s32 $0x6090  }
0x18b: {  	v13 =	vld [tilespmem:s15+$0xFFFFFFF0]  }
0x18c: {  	v4 =	vld [tilespmem:s15+$0x0];
	_ =	sdelay $0x2  }
0x18d: {  	s31 =	simm.s32 $0x0;
	p1 =	sgt.s32 s12, $0x2  }
.Ltmp25:
0x18e: {  	v9 =	vor.u32 s31, v2;
	v10 =	vshrl.u32 v13, $0x6;
	(pc) =	sbr.rel @!p1 .LBB2_58-.Ltmp25, $4  }
0x18f: {  	s14 =	simm.s32 $0x10;
	vm2 =	vlt.s32 v9, v7;
	v9 =	vshrl.u32 v4, $0x6;
	v10 =	vand.u32 $0xFF, v10  }
0x190: {  	v11 =	vor.u32 s14, v2;
	v9 =	vand.u32 $0xFF, v9;
	vm0 =	veq.s32 v10, v8  }
0x191: {  	vm3 =	vlt.s32 v11, v7;
	vm5 =	vmand vm2, vm0;
	vm0 =	veq.s32 v9, v8  }
0x192: {  	s13 =	simm.s32 $0x0;
	p0 =	por $0x0, $0x0;
	s14 =	simm.s32 $0x60B0;
	v16 =	vmpcnt.ones.xlane vm5;
	vm4 =	vmand vm3, vm0  }
0x193: {  	v11 =	vld [tilespmem:s14+$0xFFFFFFF0]  }
0x194: {  	v12 =	vld [tilespmem:s14+$0x0];
	v14 =	vmpcnt.ones.xlane vm4  }
0x195: {  	(v2sf) =	vpush v16, $0x0  }
0x196: {  	(v2sf) =	vpush v14, $0x0  }
0x197: {  	vm6 =	vmmov vm3;
	vm0 =	vmmov vm2;
	vm7 =	vmmov vm5;
	s31 =	simm.s32 $0x20;
	p1 =	sgt.s32 s12, $0x4  }
.Ltmp26:
0x198: {  	vm1 =	vmmov vm4;
	v14 =	vor.u32 s31, v2;
	v15 =	vshrl.u32 v11, $0x6;
	(pc) =	sbr.rel @!p1 .LBB2_60-.Ltmp26, $4  }
0x199: {  	s15 =	simm.s32 $0x30;
	vm2 =	vlt.s32 v14, v7;
	v14 =	vshrl.u32 v12, $0x6;
	v15 =	vand.u32 $0xFF, v15  }
0x19a: {  	v16 =	vor.u32 s15, v2;
	v17 =	vand.u32 $0xFF, v14;
	vm4 =	veq.s32 v15, v8  }
0x19b: {  	s16 =	simm.s32 $0x4;
	vm3 =	vlt.s32 v16, v7;
	vm5 =	vmand vm2, vm4;
	vm4 =	veq.s32 v17, v8  }
0x19c: {  	s17 =	simm.s32 $0x60D0;
	p0 =	por $0x1, $0x1;
	s14 =	simm.s32 $0x0;
	[tilespmem:s13+$0x4000] =	vst.msk vm7, v13;
	vm6 =	vmmov vm6;
	v14 =	vmovc v5;
	v16 =	vmpcnt.ones.xlane vm5;
	vm4 =	vmand vm3, vm4  }
.LBB2_61:
0x19d: {  	v18 =	vmpcnt.ones.xlane vm4;
	vm7 =	vmmov vm3;
	vm10 =	vmmov vm0  }
0x19e: {  	v13 =	vld [tilespmem:s17+$0xFFFFFFF0];
	s16 =	sadd.s32 $0x2, s16;
	vm0 =	vmmov vm2;
	vm8 =	vmmov vm5;
	vm9 =	vmmov vm1  }
0x19f: {  	s15 =	sadd.s32 $0x20, s15;
	vm1 =	vmmov vm4;
	v19 =	vld [tilespmem:s17+$0x0];
	p1 =	slt.s32 s16, s12;
	(v2sf) =	vpush v16, $0x0  }
0x1a0: {  	s18 =	sadd.s32 $0xFFFFFFF0, s15;
	v16 =	vor.u32 s15, v2;
	(v2sf) =	vpush v18, $0x0  }
0x1a1: {  	vm4 =	vgt.s32 v10, v8;
	v10 =	vmovc v15;
	v18 =	vor.u32 s18, v2;
	vm3 =	vlt.s32 v16, v7  }
0x1a2: {  	vm5 =	vgt.s32 v9, v8;
	v9 =	vmovc v17;
	vm4 =	vmand vm10, vm4;
	vm2 =	vlt.s32 v18, v7  }
.Ltmp27:
0x1a3: {  	v16 =	vmpcnt.ones.xlane vm4;
	vm4 =	vmand vm6, vm5;
	v15 =	vshrl.u32 v13, $0x6;
	(pc) =	sbr.rel @p1 .LBB2_61-.Ltmp27, $4  }
0x1a4: {  	v18 =	vmpcnt.ones.xlane vm4;
	v15 =	vand.u32 $0xFF, v15;
	v17 =	vshrl.u32 v19, $0x6;
	s18 =	spop (v2sf)  }
0x1a5: {  	v14 =	vadd.s32 v14, v16;
	vm4 =	veq.s32 v15, v8;
	v17 =	vand.u32 $0xFF, v17;
	s14 =	sadd.s32 s14, s18;
	s18 =	spop (v2sf)  }
0x1a6: {  	v14 =	vadd.s32 v18, v14;
	vm5 =	vmand vm2, vm4;
	vm4 =	veq.s32 v17, v8;
	[tilespmem:s14+$0x4000] =	vst.msk vm9, v4;
	s14 =	sadd.s32 s14, s18;
	v4 =	vmovc v12  }
0x1a7: {  	s17 =	sadd.s32 $0x20, s17;
	vm6 =	vmmov vm7;
	v12 =	vmovc v19;
	v16 =	vmpcnt.ones.xlane vm5;
	vm4 =	vmand vm3, vm4;
	[tilespmem:s14+$0x4000] =	vst.msk vm8, v11;
	v11 =	vmovc v13  }
0x1a8: {  	v19 =	vmov v10;
	v20 =	vmov v9  }
0x1a9: {  	v18 =	vmovc v4;
	v10 =	vmovc v15;
	v9 =	vmov v17;
	v4 =	vmov v12;
	v13 =	vmov v11  }
.LBB2_63:
0x1aa: {  	v11 =	vmpcnt.ones.xlane vm4  }
0x1ab: {  	(v2sf) =	vpush v16, $0x0  }
0x1ac: {  	(v2sf) =	vpush v11, $0x0;
	_ =	sdelay $0x6  }
0x1ad: {  	vm0 =	vmmov @p0 vm0;
	vm7 =	vgt.s32 @p0 v19, v8  }
0x1ae: {  	vm3 =	vmmov vm3;
	vm2 =	vmmov vm2;
	vm5 =	vmmov vm5  }
0x1af: {  	vm1 =	vmmov @p0 vm1;
	vm0 =	vmand @p0 vm0, vm7;
	vm7 =	vgt.s32 @p0 v20, v8  }
0x1b0: {  	vm11 =	vgt.s32 v10, v8;
	v11 =	vmpcnt.ones.xlane @p0 vm0;
	vm0 =	vmand @p0 vm6, vm7  }
0x1b1: {  	vm12 =	vgt.s32 v9, v8;
	vm10 =	vmmov vm2;
	v12 =	vmpcnt.ones.xlane @p0 vm0;
	s15 =	spop @p0 (v2sf)  }
.Ltmp28:
0x1b2: {  	vm3 =	vmmov vm3;
	vm0 =	vmand vm10, vm11;
	v11 =	vadd.s32 @p0 v14, v11;
	s14 =	sadd.s32 @p0 s14, s15;
	s15 =	spop @p0 (v2sf);
	(pc) =	sbr.rel .LBB2_32-.Ltmp28, $4  }
0x1b3: {  	vm13 =	vmand vm3, vm12;
	v10 =	vmpcnt.ones.xlane vm0;
	v9 =	vadd.s32 @p0 v12, v11;
	s15 =	sadd.s32 @p0 s14, s15  }
0x1b4: {  	vm14 =	vmmov vm4;
	[tilespmem:s14+$0x4000] =	vst.msk @p0 vm1, v18;
	v5 =	vpsel p0, v9, v5;
	v9 =	vmpcnt.ones.xlane vm13;
	s13 =	smov.u32 @p0 s15;
	s30 =	spop (v2sf)  }
0x1b5: {  	vm15 =	vmmov vm14;
	v5 =	vadd.s32 v5, v10;
	[tilespmem:s13+$0x4000] =	vst.msk vm5, v13;
	s13 =	sadd.s32 s13, s30;
	s31 =	spop (v2sf)  }
0x1b6: {  	v5 =	vadd.s32 v9, v5;
	[tilespmem:s13+$0x4000] =	vst.msk vm15, v4;
	s14 =	sadd.s32 s13, s31  }
.LBB2_31:
0x1b7: {  	s14 =	simm.s32 $0x0  }
.LBB2_32:
0x1b8: {  	s11 =	ssub.s32 s11, s12  }
0x1b9: {  	p0 =	slt.s32 s11, $0x1  }
0x1ba: {  	s11 =	sshll.u32 @!p0 s12, $0x4  }
0x1bb: {  	v4 =	vld @!p0 [tilespmem:s11+$0x6080];
	_ =	sdelay $0x4  }
0x1bc: {  	v10 =	vlaneseq.u32 @!p0;
	v9 =	vshrl.u32 @!p0 v4, $0x6  }
0x1bd: {  	v10 =	vor.u32 @!p0 s11, v10;
	v9 =	vand.u32 @!p0 $0xFF, v9  }
0x1be: {  	vm0 =	vlt.s32 @!p0 v10, v7;
	vm1 =	veq.s32 @!p0 v9, v8  }
0x1bf: {  	vm1 =	vmand @!p0 vm0, vm1  }
0x1c0: {  	v7 =	vmpcnt.ones.xlane @!p0 vm1;
	_ =	sdelay $0x1  }
0x1c1: {  	(v2sf) =	vpush @!p0 v7, $0x0;
	_ =	sdelay $0xb  }
0x1c2: {  	vm2 =	vgt.s32 @!p0 v9, v8  }
0x1c3: {  	vm0 =	vmand @!p0 vm0, vm2  }
0x1c4: {  	v7 =	vmpcnt.ones.xlane @!p0 vm0  }
0x1c5: {  	s11 =	spop @!p0 (v2sf)  }
0x1c6: {  	v7 =	vadd.s32 @!p0 v5, v7;
	s13 =	sadd.s32 @!p0 s14, s11  }
0x1c7: {  	[tilespmem:s14+$0x4000] =	vst.msk @!p0 vm1, v4;
	v4 =	vpsel p0, v5, v7;
	s11 =	simm.s32 $0x40;
	s13 =	smov.u32 @p0 s14;
	s14 =	simm.s32 $0x0  }
.LBB2_33:
0x1c8: {  	p0 =	sne.s32 s11, $0xC0;
	[tilespmem:s14+$0x8100] =	vst v0;
	s12 =	smov.u32 s11;
	s11 =	sadd.s32 $0x40, s11  }
.Ltmp29:
0x1c9: {  	(pc) =	sbr.rel @p0 .LBB2_33-.Ltmp29, $2  }
0x1ca: {  	_ =	sdelay $0x2  }
0x1cb: {  	s14 =	sshra.s32 s12, $0x2  }
0x1cc: {  	s11 =	sadd.s32 $0xF, s13  }
0x1cd: {  	s12 =	sand.u32 $0xF, s11  }
0x1ce: {  	s31 =	sshra.s32 s11, $0x1F;
	p1 =	slt.s32 s11, $0x1;
	p0 =	sne.s32 s12, $0x0  }
0x1cf: {  	s12 =	sshrl.u32 s31, $0x1C;
	p0 =	por !p1, !p0  }
0x1d0: {  	s11 =	sadd.s32 s12, s11;
	s12 =	simm.s32 $0x1;
	p0 =	por !p0, !p0  }
0x1d1: {  	s11 =	sshra.s32 s11, $0x4;
	s12 =	simm.s32 @!p0 $0x0  }
0x1d2: {  	s11 =	ssub.s32 s11, s12  }
0x1d3: {  	s12 =	sshrl.u32 s11, $0x1D  }
0x1d4: {  	s12 =	sadd.s32 s12, s11  }
0x1d5: {  	s12 =	sand.u32 $0xFFFFFFF8, s12  }
0x1d6: {  	p0 =	slt.s32 s12, $0x1  }
.Ltmp30:
0x1d7: {  	_ = 	snop;
	(pc) =	sbr.rel @p0 .LBB2_38-.Ltmp30, $2  }
0x1d8: {  	_ =	sdelay $0x2  }
0x1d9: {  	[tilespmem:s14+$0x8100] =	vst v0;
	v5 =	vmov s13  }
0x1da: {  	s14 =	simm.s32 $0x4040  }
0x1db: {  	v7 =	vld [tilespmem:s14+$0x30]  }
0x1dc: {  	v9 =	vld [tilespmem:s14+$0xFFFFFFC0]  }
0x1dd: {  	s13 =	simm.s32 $0x70;
	v10 =	vld [tilespmem:s14+$0xFFFFFFD0]  }
0x1de: {  	s15 =	simm.s32 $0x0;
	v11 =	vld [tilespmem:s14+$0xFFFFFFE0];
	v12 =	vor.u32 s13, v2  }
0x1df: {  	s16 =	simm.s32 $0x10;
	v61 =	vor.u32 s15, v2;
	vm0 =	vlt.s32 v12, v5  }
0x1e0: {  	s28 =	simm.s32 $0x20;
	v13 =	vor.u32 s16, v2;
	v14 =	vld [tilespmem:s14+$0xFFFFFFF0];
	vm2 =	vlt.s32 v61, v5;
	v15 =	vand.u32 $0x3F, v7  }
0x1e1: {  	v62 =	vld [tilespmem:s14+$0x0];
	vm3 =	vlt.s32 v13, v5;
	v7 =	vor.u32 s28, v2;
	v16 =	vand.u32 $0x3F, v9  }
0x1e2: {  	s17 =	simm.s32 $0x60;
	v63 =	vld [tilespmem:s14+$0x10];
	v17 =	vand.u32 $0x3F, v10;
	vm4 =	vlt.s32 v7, v5  }
0x1e3: {  	s29 =	simm.s32 $0x30;
	p0 =	sgt.s32 s12, $0x8;
	v18 =	vld [tilespmem:s14+$0x20];
	v20 =	vor.u32 s17, v2;
	v19 =	vand.u32 $0x3F, v11  }
.Ltmp31:
0x1e4: {  	s30 =	simm.s32 $0x40;
	s31 =	simm.s32 $0x50;
	vm5 =	vlt.s32 v20, v5;
	(pc) =	sbr.rel @!p0 .LBB2_37-.Ltmp31, $4  }
0x1e5: {  	v9 =	vor.u32 s29, v2;
	v10 =	vor.u32 s30, v2;
	v11 =	vor.u32 s31, v2;
	[tilespmem:v15+s9+$0x0] =	vst.idx.add.s32.msk vm0, v1  }
0x1e6: {  	v7 =	vand.u32 $0x3F, v14;
	vm1 =	vlt.s32 v9, v5;
	v9 =	vand.u32 $0x3F, v62;
	[tilespmem:v16+s9+$0x0] =	vst.idx.add.s32.msk vm2, v1  }
0x1e7: {  	vm0 =	vlt.s32 v10, v5;
	vm2 =	vlt.s32 v11, v5;
	v10 =	vand.u32 $0x3F, v63;
	[tilespmem:v17+s9+$0x0] =	vst.idx.add.s32.msk vm3, v1  }
0x1e8: {  	s14 =	simm.s32 $0x8;
	s15 =	simm.s32 $0x40C0;
	v11 =	vand.u32 $0x3F, v18;
	vm3 =	vmmov vm5;
	vm2 =	vmmov vm2;
	[tilespmem:v19+s9+$0x0] =	vst.idx.add.s32.msk vm4, v1  }
.LBB2_36:
0x1e9: {  	v12 =	vld [tilespmem:s15+$0x30];
	s14 =	sadd.s32 $0x8, s14  }
0x1ea: {  	v13 =	vld [tilespmem:s15+$0xFFFFFFC0];
	p0 =	slt.s32 s14, s12  }
0x1eb: {  	s13 =	sadd.s32 $0x80, s13;
	v14 =	vld [tilespmem:s15+$0xFFFFFFD0]  }
0x1ec: {  	s16 =	sadd.s32 $0xFFFFFFA0, s13;
	s17 =	sadd.s32 $0xFFFFFFB0, s13;
	s18 =	sadd.s32 $0xFFFFFFC0, s13;
	v16 =	vor.u32 s13, v2;
	v15 =	vld [tilespmem:s15+$0xFFFFFFE0]  }
0x1ed: {  	s19 =	sadd.s32 $0xFFFFFFF0, s13;
	v17 =	vor.u32 s16, v2;
	v18 =	vor.u32 s17, v2;
	s16 =	sadd.s32 $0xFFFFFFD0, s13;
	s17 =	sadd.s32 $0xFFFFFFE0, s13;
	vm4 =	vlt.s32 v16, v5;
	v19 =	vld [tilespmem:s15+$0xFFFFFFF0]  }
0x1ee: {  	s20 =	sadd.s32 $0xFFFFFF90, s13;
	v16 =	vor.u32 s18, v2;
	v21 =	vor.u32 s16, v2;
	v20 =	vld [tilespmem:s15+$0x0];
	v12 =	vand.u32 $0x3F, v12  }
0x1ef: {  	v22 =	vor.u32 s20, v2;
	v25 =	vor.u32 s19, v2;
	v24 =	vor.u32 s17, v2;
	v23 =	vld [tilespmem:s15+$0x10]  }
0x1f0: {  	vm5 =	vlt.s32 v22, v5;
	v13 =	vand.u32 $0x3F, v13;
	v14 =	vand.u32 $0x3F, v14;
	v22 =	vld [tilespmem:s15+$0x20]  }
0x1f1: {  	vm6 =	vlt.s32 v17, v5;
	vm7 =	vlt.s32 v18, v5;
	v15 =	vand.u32 $0x3F, v15;
	[tilespmem:v7+s9+$0x0] =	vst.idx.add.s32.msk vm1, v1  }
0x1f2: {  	vm1 =	vlt.s32 v16, v5;
	v7 =	vand.u32 $0x3F, v19;
	[tilespmem:v9+s9+$0x0] =	vst.idx.add.s32.msk vm0, v1;
	vm0 =	vlt.s32 v21, v5  }
0x1f3: {  	vm9 =	vlt.s32 v25, v5;
	vm8 =	vlt.s32 v24, v5;
	v9 =	vand.u32 $0x3F, v20;
	[tilespmem:v12+s9+$0x0] =	vst.idx.add.s32.msk vm4, v1  }
.Ltmp32:
0x1f4: {  	[tilespmem:v10+s9+$0x0] =	vst.idx.add.s32.msk vm2, v1;
	v10 =	vand.u32 $0x3F, v23;
	vm2 =	vmmov vm8;
	(pc) =	sbr.rel @p0 .LBB2_36-.Ltmp32, $4  }
0x1f5: {  	[tilespmem:v11+s9+$0x0] =	vst.idx.add.s32.msk vm3, v1;
	v11 =	vand.u32 $0x3F, v22;
	vm3 =	vmmov vm9  }
0x1f6: {  	[tilespmem:v13+s9+$0x0] =	vst.idx.add.s32.msk vm5, v1  }
0x1f7: {  	[tilespmem:v14+s9+$0x0] =	vst.idx.add.s32.msk vm6, v1  }
0x1f8: {  	s15 =	sadd.s32 $0x80, s15;
	[tilespmem:v15+s9+$0x0] =	vst.idx.add.s32.msk vm7, v1  }
.LBB2_37:
0x1f9: {  	_ =	sdelay $0x4  }
0x1fa: {  	[tilespmem:v7+s9+$0x0] =	vst.idx.add.s32.msk vm1, v1  }
0x1fb: {  	[tilespmem:v9+s9+$0x0] =	vst.idx.add.s32.msk vm0, v1  }
0x1fc: {  	[tilespmem:v10+s9+$0x0] =	vst.idx.add.s32.msk vm2, v1  }
0x1fd: {  	[tilespmem:v11+s9+$0x0] =	vst.idx.add.s32.msk vm3, v1  }
.LBB2_38:
0x1fe: {  	s13 =	ssub.s32 s11, s12  }
0x1ff: {  	p0 =	sgt.s32 s13, $0x0  }
.Ltmp33:
0x200: {  	_ = 	snop;
	(pc) =	sbr.rel @!p0 .LBB2_39-.Ltmp33, $1  }
0x201: {  	_ =	sdelay $0x3  }
0x202: {  	s13 =	sshll.u32 s12, $0x6  }
0x203: {  	s13 =	sshra.s32 s13, $0x2  }
0x204: {  	s14 =	sshll.u32 s12, $0x4;
	s13 =	sadd.s32 $0x4000, s13  }
.LBB2_65:
0x205: {  	v7 =	vld [tilespmem:s13+$0x0];
	_ =	sdelay $0x2  }
0x206: {  	v9 =	vor.u32 s14, v2  }
0x207: {  	s12 =	sadd.s32 $0x1, s12;
	vm0 =	vlt.s32 v9, v5  }
0x208: {  	p0 =	slt.s32 s12, s11;
	v7 =	vand.u32 $0x3F, v7  }
.Ltmp34:
0x209: {  	_ = 	snop;
	(pc) =	sbr.rel @p0 .LBB2_65-.Ltmp34, $2  }
0x20a: {  	_ =	sdelay $0x2  }
0x20b: {  	s13 =	sadd.s32 $0x10, s13;
	s14 =	sadd.s32 $0x10, s14;
	[tilespmem:v7+s9+$0x0] =	vst.idx.add.s32.msk vm0, v1  }
.LBB2_39:
0x20c: {  	s12 =	simm.s32 $0x8100  }
0x20d: {  	v9 =	vld [tilespmem:s12+$0x0];
	_ =	sdelay $0x4  }
0x20e: {  	(xrf0) =	vadd.scan.msk.s32 $0xffff, v9;
	_ =	sdelay $0x3  }
0x20f: {  	s12 =	simm.s32 $0x8110  }
0x210: {  	v7 =	vshll.u32 v8, $0x6;
	v11 =	vld [tilespmem:s12+$0x0]  }
0x211: {  	v8 =	vadd.s32 v5, v4;
	v6 =	vor.u32 v7, v6;
	v7 =	vimm.s32 $0x0;
	v9, _, _ =	vpop (xrf0)  }
0x212: {  	v8 =	vadd.s32 $0xFFFFF000, v8;
	v10 =	vadd.s32 v7, v9  }
0x213: {  	vm0 =	vgt.s32 v10, v8  }
0x214: {  	v9 =	vbroadcast v9, $0xF;
	v10 =	vmctz.xlane vm0  }
0x215: {  	s15 =	simm.s32 $0x0;
	(xrf0) =	vadd.scan.msk.s32 $0xffff, v11;
	vm0 =	vlt.s32 v7, $0x1  }
0x216: {  	v9 =	vadd.s32 v7, v9;
	vm1 =	vlt.s32 v10, $0x10;
	v11 =	vadd.s32 s15, v10  }
0x217: {  	s13 =	simm.s32 $0x10;
	s14 =	simm.s32 $0x20;
	v10 =	vimm.s32 $0x0;
	vm0 =	vmand vm0, vm1;
	v12 =	vsel vm1, $0x1, v0  }
.LBB2_40:
0x218: {  	p0 =	sne.s32 s14, $0x30;
	v7 =	vsel vm0, v11, v7;
	v10 =	vor.u32 v12, v10;
	s15 =	smov.u32 s14;
	s14 =	sadd.s32 $0x10, s14  }
0x219: {  	s12 =	sadd.s32 $0x10, s12  }
0x21a: {  	v11 =	vld [tilespmem:s12+$0x0]  }
0x21b: {  	v12, _, _ =	vpop (xrf0)  }
0x21c: {  	v13 =	vadd.s32 v9, v12;
	v12 =	vbroadcast v12, $0xF  }
.Ltmp35:
0x21d: {  	vm0 =	vgt.s32 v13, v8;
	(pc) =	sbr.rel @p0 .LBB2_40-.Ltmp35, $4  }
0x21e: {  	v13 =	vmctz.xlane vm0;
	v9 =	vadd.s32 v9, v12  }
0x21f: {  	(xrf0) =	vadd.scan.msk.s32 $0xffff, v11  }
0x220: {  	vm0 =	vlt.s32 v10, $0x1;
	vm1 =	vlt.s32 v13, $0x10  }
0x221: {  	v11 =	vadd.s32 s13, v13;
	s13 =	smov.u32 s15;
	vm0 =	vmand vm0, vm1;
	v12 =	vsel vm1, $0x1, v0  }
0x222: {  	_ =	sdelay $0x1  }
0x223: {  	s12 =	sshrl.u32 s11, $0x1F  }
0x224: {  	s12 =	sadd.s32 s12, s11;
	v13, _, _ =	vpop (xrf0)  }
0x225: {  	s12 =	sand.u32 $0xFFFFFFFE, s12;
	v9 =	vadd.s32 v9, v13  }
0x226: {  	p0 =	slt.s32 s12, $0x1;
	vm1 =	vgt.s32 v9, v8  }
.Ltmp36:
0x227: {  	v8 =	vmctz.xlane vm1;
	(pc) =	sbr.rel @p0 .LBB2_42-.Ltmp36, $4  }
0x228: {  	v63 =	vor.u32 v12, v10  }
0x229: {  	vm2 =	vlt.s32 v63, $0x1;
	vm1 =	vlt.s32 v8, $0x10  }
0x22a: {  	v7 =	vsel vm0, v11, v7;
	v8 =	vadd.s32 s13, v8;
	vm15 =	vmand vm2, vm1  }
0x22b: {  	s13 =	simm.s32 $0x0;
	v7 =	vsel vm15, v8, v7  }
0x22c: {  	s15 =	simm.s32 $0x4010  }
0x22d: {  	v12 =	vld [tilespmem:s15+$0xFFFFFFF0]  }
0x22e: {  	v8 =	vld [tilespmem:s15+$0x0]  }
0x22f: {  	p2 =	sgt.s32 s12, $0x2  }
.Ltmp37:
0x230: {  	_ = 	snop;
	(pc) =	sbr.rel @!p2 .LBB2_67-.Ltmp37, $4  }
0x231: {  	s14 =	simm.s32 $0x10;
	s31 =	simm.s32 $0x0  }
0x232: {  	v10 =	vor.u32 s14, v2;
	v11 =	vor.u32 s31, v2;
	v9 =	vand.u32 $0x3F, v12  }
0x233: {  	vm1 =	vlt.s32 v11, v5;
	v15 =	vand.u32 $0x3F, v8;
	vm0 =	veq.s32 v9, v7  }
0x234: {  	p0 =	por $0x0, $0x0;
	p1 =	por $0x0, $0x0;
	s14 =	simm.s32 $0x4030;
	vm6 =	vlt.s32 v10, v5;
	vm8 =	veq.s32 v15, v7;
	vm0 =	vmand vm1, vm0  }
0x235: {  	v13 =	vmpcnt.ones.xlane vm0;
	vm4 =	vmand vm6, vm8  }
0x236: {  	v14 =	vmpcnt.ones.xlane vm4  }
0x237: {  	(v2sf) =	vpush v13, $0x0  }
0x238: {  	(v2sf) =	vpush v14, $0x0;
	_ =	sdelay $0x5  }
0x239: {  	v10 =	vld [tilespmem:s14+$0xFFFFFFF0]  }
0x23a: {  	v11 =	vld [tilespmem:s14+$0x0]  }
0x23b: {  	p2 =	sgt.s32 s12, $0x4  }
.Ltmp38:
0x23c: {  	vm3 =	vmmov vm6;
	s31 =	simm.s32 $0x30;
	(pc) =	sbr.rel @!p2 .LBB2_69-.Ltmp38, $4  }
0x23d: {  	vm7 =	vmmov vm1;
	s15 =	simm.s32 $0x20;
	vm2 =	vmmov vm0;
	v13 =	vor.u32 s31, v2  }
0x23e: {  	v14 =	vor.u32 s15, v2;
	vm6 =	vlt.s32 v13, v5;
	v13 =	vand.u32 $0x3F, v10  }
0x23f: {  	vm1 =	vlt.s32 v14, v5;
	v14 =	vand.u32 $0x3F, v11;
	vm0 =	veq.s32 v13, v7  }
0x240: {  	s14 =	simm.s32 $0x4050;
	p0 =	por $0x1, $0x1;
	vm5 =	vmmov vm4;
	vm8 =	veq.s32 v14, v7;
	vm0 =	vmand vm1, vm0  }
0x241: {  	v16 =	vmpcnt.ones.xlane vm0;
	vm8 =	vmand vm6, vm8;
	vm9 =	vmmov vm3  }
0x242: {  	vm3 =	vmmov vm6;
	v19 =	vld [tilespmem:s14+$0xFFFFFFF0];
	vm4 =	vmmov vm5;
	v17 =	vmpcnt.ones.xlane vm8  }
0x243: {  	v18 =	vld [tilespmem:s14+$0x0];
	vm10 =	vmmov vm7;
	vm7 =	vmmov vm1;
	(v2sf) =	vpush v16, $0x0  }
0x244: {  	s15 =	simm.s32 $0x50;
	[tilespmem:s13+$0x6080] =	vst.msk vm2, v12;
	vm2 =	vmmov vm0;
	vm0 =	vgt.s32 v9, v7;
	p2 =	sgt.s32 s12, $0x6;
	(v2sf) =	vpush v17, $0x0  }
.Ltmp39:
0x245: {  	s31 =	simm.s32 $0x40;
	vm5 =	vmmov vm8;
	v12 =	vor.u32 s15, v2;
	vm0 =	vmand vm10, vm0;
	(pc) =	sbr.rel @!p2 .LBB2_71-.Ltmp39, $4  }
0x246: {  	vm8 =	vgt.s32 v15, v7;
	v16 =	vor.u32 s31, v2;
	vm6 =	vlt.s32 v12, v5  }
0x247: {  	v20 =	vmpcnt.ones.xlane vm0;
	vm9 =	vmand vm9, vm8;
	v9 =	vand.u32 $0x3F, v19  }
0x248: {  	s17 =	simm.s32 $0x6;
	s18 =	simm.s32 $0x4070;
	vm1 =	vlt.s32 v16, v5;
	v17 =	vand.u32 $0x3F, v18;
	vm10 =	veq.s32 v9, v7  }
0x249: {  	s16 =	spop (v2sf);
	p1 =	por $0x1, $0x1;
	s14 =	simm.s32 $0x0;
	v21 =	vmpcnt.ones.xlane vm9;
	v16 =	vmovc v4;
	vm8 =	veq.s32 v17, v7;
	vm0 =	vmand vm1, vm10  }
.LBB2_72:
0x24a: {  	v15 =	vmpcnt.ones.xlane vm0;
	vm10 =	vmand vm6, vm8;
	v16 =	vadd.s32 v16, v20  }
0x24b: {  	v12 =	vld [tilespmem:s18+$0x0];
	s14 =	sadd.s32 s14, s16;
	s16 =	spop (v2sf);
	vm8 =	vmmov vm3;
	vm3 =	vmmov vm6;
	vm9 =	vmmov vm7  }
0x24c: {  	s17 =	sadd.s32 $0x2, s17;
	v20 =	vld [tilespmem:s18+$0xFFFFFFF0];
	v22 =	vmpcnt.ones.xlane vm10;
	[tilespmem:s14+$0x6080] =	vst.msk vm4, v8;
	s14 =	sadd.s32 s14, s16;
	v16 =	vadd.s32 v21, v16;
	v8 =	vmovc v11;
	v11 =	vmovc v18;
	vm4 =	vmmov vm5  }
0x24d: {  	s15 =	sadd.s32 $0x20, s15;
	vm7 =	vmmov vm1;
	p2 =	slt.s32 s17, s12;
	vm5 =	vmmov vm10;
	(v2sf) =	vpush v15, $0x0;
	[tilespmem:s14+$0x6080] =	vst.msk vm2, v10;
	v10 =	vmovc v19  }
0x24e: {  	s16 =	sadd.s32 $0xFFFFFFF0, s15;
	v15 =	vor.u32 s15, v2;
	vm2 =	vmmov vm0;
	(v2sf) =	vpush v22, $0x0  }
.Ltmp40:
0x24f: {  	v21 =	vor.u32 s16, v2;
	vm6 =	vlt.s32 v15, v5;
	(pc) =	sbr.rel @p2 .LBB2_72-.Ltmp40, $4  }
0x250: {  	vm0 =	vgt.s32 v13, v7;
	v13 =	vmovc v9;
	vm1 =	vlt.s32 v21, v5;
	v15 =	vand.u32 $0x3F, v12;
	v18 =	vmovc v12  }
0x251: {  	vm0 =	vmand vm9, vm0;
	vm9 =	vgt.s32 v14, v7;
	v14 =	vmovc v17;
	v9 =	vand.u32 $0x3F, v20;
	v19 =	vmovc v20  }
0x252: {  	vm9 =	vmand vm8, vm9;
	v20 =	vmpcnt.ones.xlane vm0;
	v17 =	vmovc v15;
	vm10 =	veq.s32 v9, v7  }
0x253: {  	s18 =	sadd.s32 $0x20, s18;
	v21 =	vmpcnt.ones.xlane vm9;
	vm8 =	veq.s32 v17, v7;
	vm0 =	vmand vm1, vm10;
	s16 =	spop (v2sf)  }
0x254: {  	v22 =	vmov v8;
	v23 =	vmov v11;
	v8 =	vmov v18  }
0x255: {  	v18 =	vmovc v10;
	v12 =	vmovc v19;
	v24 =	vmov v13;
	v19 =	vmov v14;
	v15 =	vmov v17  }
.LBB2_74:
0x256: {  	v10 =	vmpcnt.ones.xlane vm0;
	vm8 =	vmand vm6, vm8  }
0x257: {  	v11 =	vmpcnt.ones.xlane vm8  }
0x258: {  	(v2sf) =	vpush v10, $0x0  }
0x259: {  	(v2sf) =	vpush v11, $0x0;
	_ =	sdelay $0x3  }
0x25a: {  	vm7 =	vmmov @p0 vm7  }
0x25b: {  	vm9 =	vgt.s32 @p0 v24, v7;
	vm3 =	vmmov @p0 vm3;
	vm15 =	vmmov vm6  }
0x25c: {  	vm5 =	vmmov @p0 vm5;
	vm1 =	vmmov vm1;
	vm10 =	vgt.s32 v9, v7  }
0x25d: {  	v14 =	vmovc @p0 v23;
	vm12 =	vgt.s32 v15, v7;
	vm14 =	vmmov vm0;
	vm7 =	vmand @p0 vm7, vm9  }
0x25e: {  	v14 =	vpsel p0, v14, v0;
	v11 =	vmpcnt.ones.xlane @p0 vm7;
	vm7 =	vgt.s32 @p0 v19, v7  }
0x25f: {  	s15 =	spop @p1 (v2sf);
	s14 =	sadd.s32 @p1 s14, s16;
	vm5 =	vmmov @p0 vm5;
	v10 =	vadd.s32 @p1 v16, v20;
	vm7 =	vmand @p0 vm3, vm7  }
0x260: {  	s16 =	simm.s32 $0x0;
	s15 =	sadd.s32 @p1 s14, s15;
	s17 =	spop @p0 (v2sf);
	vm1 =	vmmov vm1;
	v10 =	vadd.s32 @p1 v21, v10;
	v13 =	vmpcnt.ones.xlane @p0 vm7  }
0x261: {  	vm11 =	vmmov vm15;
	s16 =	smov.u32 @p1 s15;
	s15 =	smov.u32 @p0 s17;
	v10 =	vpsel p1, v10, v4;
	v11 =	vpsel p0, v11, v0  }
0x262: {  	[tilespmem:s14+$0x6080] =	vst.msk @p1 vm4, v22;
	vm1 =	vmand vm1, vm10;
	s14 =	sadd.s32 @p0 s16, s15;
	v10 =	vadd.s32 @p0 v10, v11;
	v13 =	vpsel p0, v13, v0;
	s15 =	spop @p0 (v2sf)  }
0x263: {  	vm13 =	vmand vm11, vm12;
	[tilespmem:s16+$0x6080] =	vst.msk @p0 vm2, v18;
	v62 =	vmpcnt.ones.xlane vm1;
	s15 =	sadd.s32 @p0 s14, s15;
	v9 =	vadd.s32 @p0 v13, v10  }
0x264: {  	vm9 =	vmmov vm8;
	v63 =	vmpcnt.ones.xlane vm13;
	[tilespmem:s14+$0x6080] =	vst.msk @p0 vm5, v14;
	s13 =	smov.u32 @p0 s15;
	v4 =	vpsel p0, v9, v4;
	s30 =	spop (v2sf)  }
0x265: {  	vm15 =	vmmov vm9;
	[tilespmem:s13+$0x6080] =	vst.msk vm14, v12;
	v4 =	vadd.s32 v4, v62;
	s13 =	sadd.s32 s13, s30;
	s31 =	spop (v2sf)  }
0x266: {  	v4 =	vadd.s32 v63, v4;
	[tilespmem:s13+$0x6080] =	vst.msk vm15, v8;
	s13 =	sadd.s32 s13, s31  }
.LBB2_42:
0x267: {  	s11 =	ssub.s32 s11, s12  }
0x268: {  	p0 =	slt.s32 s11, $0x1  }
0x269: {  	s11 =	sshll.u32 @!p0 s12, $0x4  }
0x26a: {  	v8 =	vld @!p0 [tilespmem:s11+$0x4000];
	_ =	sdelay $0x3  }
0x26b: {  	v9 =	vlaneseq.u32 @!p0  }
0x26c: {  	v9 =	vor.u32 @!p0 s11, v9;
	v10 =	vand.u32 @!p0 $0x3F, v8  }
0x26d: {  	vm0 =	vlt.s32 @!p0 v9, v5;
	vm1 =	vgt.s32 @!p0 v10, v7  }
0x26e: {  	vm1 =	vmand @!p0 vm0, vm1  }
0x26f: {  	v5 =	vmpcnt.ones.xlane @!p0 vm1;
	vm1 =	veq.s32 @!p0 v10, v7  }
0x270: {  	vm0 =	vmand @!p0 vm0, vm1  }
0x271: {  	s31 =	simm.s32 $0x40;
	[tilespmem:s13+$0x6080] =	vst.msk @!p0 vm0, v8  }
0x272: {  	v8 =	vld [tilespmem:s31+$0xFFFFFFC0]  }
0x273: {  	v9 =	vld [tilespmem:s31+$0xFFFFFFD0]  }
0x274: {  	v10 =	vld [tilespmem:s31+$0xFFFFFFE0]  }
0x275: {  	v5 =	vadd.s32 @!p0 v4, v5;
	v11 =	vld [tilespmem:s31+$0xFFFFFFF0]  }
0x276: {  	v5 =	vpsel p0, v4, v5;
	v4 =	vor.u32 v7, v6;
	v6 =	vld [tilespmem:s31+$0x0]  }
0x277: {  	vm0 =	vgt.s32 v8, v4;
	vm3 =	veq.s32 v8, v4;
	v8 =	vld [tilespmem:s31+$0x10]  }
0x278: {  	v7 =	vimm.s32 $0x0;
	vm1 =	vgt.s32 v9, v4;
	vm4 =	veq.s32 v9, v4;
	v9 =	vld [tilespmem:s31+$0x20]  }
0x279: {  	vm2 =	vgt.s32 v10, v4;
	vm5 =	veq.s32 v10, v4;
	v10 =	vld [tilespmem:s31+$0x30];
	v12 =	vmpcnt.ones.xlane vm3;
	(xrf0) =	vadd.scan.msk.s32 vm3, v1  }
0x27a: {  	v5 =	vsub.s32 $0x1000, v5;
	vm6 =	veq.s32 v11, v4;
	v13 =	vmpcnt.ones.xlane vm4;
	(xrf0) =	vadd.scan.msk.s32 vm4, v1  }
0x27b: {  	vm7 =	veq.s32 v6, v4;
	v14 =	vmpcnt.ones.xlane vm5;
	v12 =	vadd.s32 v7, v12  }
0x27c: {  	vm13 =	vgt.s32 v6, v4;
	v15 =	vmpcnt.ones.xlane vm6;
	(xrf0) =	vadd.scan.msk.s32 vm5, v1;
	v13 =	vadd.s32 v12, v13  }
0x27d: {  	v16 =	vmpcnt.ones.xlane vm7;
	(xrf0) =	vadd.scan.msk.s32 vm6, v1;
	v14 =	vadd.s32 v13, v14;
	vm8 =	veq.s32 v8, v4  }
0x27e: {  	(xrf0) =	vadd.scan.msk.s32 vm7, v1;
	vm9 =	veq.s32 v9, v4;
	vm10 =	veq.s32 v10, v4;
	vm14 =	vgt.s32 v9, v4  }
0x27f: {  	v15 =	vadd.s32 v14, v15;
	v17 =	vmpcnt.ones.xlane vm8;
	v18 =	vmpcnt.ones.xlane vm9;
	v19, _, _ =	vpop (xrf0)  }
0x280: {  	(xrf0) =	vadd.scan.msk.s32 vm8, v1;
	v55 =	vmpcnt.ones.xlane vm10;
	v16 =	vadd.s32 v15, v16;
	v7 =	vadd.s32 v7, v19;
	v20, _, _ =	vpop (xrf0)  }
0x281: {  	(xrf0) =	vadd.scan.msk.s32 vm9, v1;
	v17 =	vadd.s32 v16, v17;
	vm11 =	vle.s32 v7, v5;
	v7 =	vadd.s32 v12, v20  }
0x282: {  	vm15 =	vgt.s32 v10, v4;
	(xrf0) =	vadd.scan.msk.s32 vm10, v1;
	v12 =	vadd.s32 v17, v18;
	v56, _, _ =	vpop (xrf0);
	vm12 =	vle.s32 v7, v5  }
0x283: {  	v7 =	vadd.s32 v13, v56;
	v13 =	vadd.s32 v12, v55;
	v57, _, _ =	vpop (xrf0);
	vm3 =	vmand vm3, vm11  }
0x284: {  	s12 =	simm.s32 $0xC0;
	vm11 =	vle.s32 v7, v5;
	v7 =	vadd.s32 v14, v57;
	v14, _, _ =	vpop (xrf0);
	vm4 =	vmand vm4, vm12  }
0x285: {  	v10 =	vld [tilespmem:s12+$0xFFFFFFE0];
	vm0 =	vmor vm0, vm3;
	vm12 =	vle.s32 v7, v5;
	v7 =	vadd.s32 v15, v14  }
0x286: {  	v14, _, _ =	vpop (xrf0);
	vm5 =	vmand vm5, vm11;
	vm1 =	vmor vm1, vm4;
	vm11 =	vle.s32 v7, v5  }
0x287: {  	v7 =	vadd.s32 v16, v14;
	v14, _, _ =	vpop (xrf0);
	vm6 =	vmand vm6, vm12;
	vm2 =	vmor vm2, vm5  }
0x288: {  	vm12 =	vle.s32 v7, v5;
	v7 =	vadd.s32 v17, v14;
	v14, _, _ =	vpop (xrf0);
	vm7 =	vmand vm7, vm11  }
0x289: {  	v9 =	vld [tilespmem:s12+$0xFFFFFFD0];
	v15 =	vsel vm2, $0x3F800000, v3;
	vm11 =	vle.s32 v7, v5;
	v7 =	vadd.s32 v12, v14  }
0x28a: {  	v6 =	vld [tilespmem:s12+$0xFFFFFFF0];
	vm2 =	vgt.s32 v10, v4;
	vm9 =	vmand vm9, vm11;
	vm11 =	vle.s32 v7, v5  }
0x28b: {  	vm8 =	vmand vm8, vm12;
	vm10 =	vmand vm10, vm11;
	vm11 =	vgt.s32 v8, v4;
	v8 =	vld [tilespmem:s12+$0xFFFFFFC0]  }
0x28c: {  	vm12 =	vgt.s32 v11, v4;
	vm5 =	vmor vm13, vm7;
	v11 =	vsel vm0, $0x3F800000, v3  }
0x28d: {  	v14 =	vsel vm1, $0x3F800000, v3;
	vm3 =	vmor vm14, vm9;
	vm9 =	vmor vm15, vm10  }
0x28e: {  	s11 =	simm.s32 $0x2040;
	vm1 =	vgt.s32 v9, v4;
	vm4 =	vmor vm12, vm6;
	v7 =	vsel vm9, $0x3F800000, v3  }
0x28f: {  	v17 =	vsel vm5, $0x3F800000, v3;
	vm5 =	veq.s32 v6, v4;
	v16 =	vsel vm4, $0x3F800000, v3;
	[tilespmem:s11+$0x30] =	vst v7;
	v7 =	vld [tilespmem:s12+$0x0]  }
0x290: {  	[tilespmem:s11+$0xFFFFFFC0] =	vst v11;
	vm6 =	vmor vm11, vm8;
	vm0 =	vgt.s32 v8, v4;
	vm8 =	veq.s32 v8, v4;
	v8 =	vld [tilespmem:s12+$0x10]  }
0x291: {  	v12 =	vsel vm3, $0x3F800000, v3;
	vm9 =	veq.s32 v9, v4;
	v9 =	vld [tilespmem:s12+$0x20];
	v11 =	vmpcnt.ones.xlane vm8;
	(xrf0) =	vadd.scan.msk.s32 vm8, v1  }
0x292: {  	vm10 =	veq.s32 v10, v4;
	v10 =	vld [tilespmem:s12+$0x30];
	[tilespmem:s11+$0x20] =	vst v12;
	v12 =	vmpcnt.ones.xlane vm9;
	(xrf0) =	vadd.scan.msk.s32 vm9, v1  }
0x293: {  	v58 =	vsel vm6, $0x3F800000, v3;
	v59 =	vmpcnt.ones.xlane vm10;
	v11 =	vadd.s32 v13, v11;
	(xrf0) =	vadd.scan.msk.s32 vm10, v1  }
0x294: {  	vm3 =	veq.s32 v7, v4;
	v60 =	vadd.s32 v11, v12;
	v12 =	vmpcnt.ones.xlane vm5;
	(xrf0) =	vadd.scan.msk.s32 vm5, v1  }
0x295: {  	v21 =	vmpcnt.ones.xlane vm3;
	v19 =	vadd.s32 v60, v59;
	vm4 =	veq.s32 v8, v4;
	(xrf0) =	vadd.scan.msk.s32 vm3, v1  }
0x296: {  	vm6 =	veq.s32 v9, v4;
	v22 =	vadd.s32 v19, v12;
	v12 =	vmpcnt.ones.xlane vm4;
	(xrf0) =	vadd.scan.msk.s32 vm4, v1  }
0x297: {  	vm7 =	veq.s32 v10, v4;
	v23 =	vmpcnt.ones.xlane vm6;
	v21 =	vadd.s32 v22, v21;
	v24, _, _ =	vpop (xrf0);
	(xrf0) =	vadd.scan.msk.s32 vm6, v1  }
0x298: {  	v61 =	vmpcnt.ones.xlane vm7;
	v13 =	vadd.s32 v13, v24;
	v12 =	vadd.s32 v21, v12;
	v25, _, _ =	vpop (xrf0);
	(xrf0) =	vadd.scan.msk.s32 vm7, v1  }
0x299: {  	[tilespmem:s11+$0xFFFFFFE0] =	vst v15;
	vm11 =	vle.s32 v13, v5;
	v11 =	vadd.s32 v11, v25;
	v13 =	vadd.s32 v12, v23;
	v62, _, _ =	vpop (xrf0)  }
0x29a: {  	[tilespmem:s11+$0xFFFFFFD0] =	vst v14;
	vm12 =	vle.s32 v11, v5;
	v14 =	vadd.s32 v60, v62;
	v11 =	vadd.s32 v13, v61;
	v63, _, _ =	vpop (xrf0)  }
0x29b: {  	[tilespmem:s11+$0x0] =	vst v17;
	vm8 =	vmand vm8, vm11;
	vm11 =	vle.s32 v14, v5;
	v14 =	vadd.s32 v19, v63;
	v15, _, _ =	vpop (xrf0)  }
0x29c: {  	[tilespmem:s11+$0xFFFFFFF0] =	vst v16;
	vm9 =	vmand vm9, vm12;
	vm12 =	vle.s32 v14, v5;
	v14 =	vadd.s32 v22, v15;
	v15, _, _ =	vpop (xrf0)  }
0x29d: {  	s13 =	simm.s32 $0x8;
	[tilespmem:s11+$0x10] =	vst v58;
	vm10 =	vmand vm10, vm11;
	vm11 =	vle.s32 v14, v5;
	v14 =	vadd.s32 v21, v15;
	v15, _, _ =	vpop (xrf0)  }
.LBB2_43:
0x29e: {  	s13 =	sadd.s32 $0x8, s13;
	vm5 =	vmand vm5, vm12;
	vm12 =	vle.s32 v14, v5;
	v12 =	vadd.s32 v12, v15;
	v14, _, _ =	vpop (xrf0)  }
0x29f: {  	vm3 =	vmand vm3, vm11;
	p0 =	slt.u32 s13, $0x1F8;
	vm11 =	vle.s32 v12, v5;
	v12 =	vadd.s32 v13, v14  }
0x2a0: {  	vm4 =	vmand vm4, vm12;
	vm6 =	vmand vm6, vm11;
	vm11 =	vle.s32 v12, v5  }
0x2a1: {  	vm13 =	vgt.s32 v7, v4;
	vm12 =	vgt.s32 v6, v4;
	vm7 =	vmand vm7, vm11  }
0x2a2: {  	vm14 =	vgt.s32 v9, v4;
	vm15 =	vgt.s32 v10, v4;
	s12 =	sadd.s32 $0x80, s12;
	vm11 =	vgt.s32 v8, v4  }
0x2a3: {  	vm0 =	vmor vm0, vm8;
	vm6 =	vmor vm14, vm6;
	vm7 =	vmor vm15, vm7;
	v8 =	vld [tilespmem:s12+$0xFFFFFFC0]  }
0x2a4: {  	vm1 =	vmor vm1, vm9;
	vm2 =	vmor vm2, vm10;
	vm5 =	vmor vm12, vm5;
	v9 =	vld [tilespmem:s12+$0xFFFFFFD0]  }
0x2a5: {  	s11 =	sadd.s32 $0x80, s11;
	vm3 =	vmor vm13, vm3;
	vm4 =	vmor vm11, vm4;
	v7 =	vsel vm7, $0x3F800000, v3;
	v10 =	vld [tilespmem:s12+$0xFFFFFFE0]  }
0x2a6: {  	v14 =	vsel vm1, $0x3F800000, v3;
	v12 =	vsel vm0, $0x3F800000, v3;
	v13 =	vsel vm6, $0x3F800000, v3;
	v6 =	vld [tilespmem:s12+$0xFFFFFFF0];
	[tilespmem:s11+$0x30] =	vst v7  }
0x2a7: {  	v15 =	vsel vm2, $0x3F800000, v3;
	v17 =	vsel vm3, $0x3F800000, v3;
	v16 =	vsel vm5, $0x3F800000, v3;
	v7 =	vld [tilespmem:s12+$0x0];
	[tilespmem:s11+$0x20] =	vst v13  }
0x2a8: {  	v18 =	vsel vm4, $0x3F800000, v3;
	vm0 =	vgt.s32 v8, v4;
	vm8 =	veq.s32 v8, v4;
	v8 =	vld [tilespmem:s12+$0x10];
	[tilespmem:s11+$0xFFFFFFC0] =	vst v12  }
0x2a9: {  	v12 =	vmpcnt.ones.xlane vm8;
	vm1 =	vgt.s32 v9, v4;
	vm9 =	veq.s32 v9, v4;
	v9 =	vld [tilespmem:s12+$0x20];
	(xrf0) =	vadd.scan.msk.s32 vm8, v1  }
0x2aa: {  	v13 =	vmpcnt.ones.xlane vm9;
	vm2 =	vgt.s32 v10, v4;
	vm10 =	veq.s32 v10, v4;
	v10 =	vld [tilespmem:s12+$0x30];
	(xrf0) =	vadd.scan.msk.s32 vm9, v1  }
0x2ab: {  	v19 =	vadd.s32 v11, v12;
	v12 =	vmpcnt.ones.xlane vm10;
	vm5 =	veq.s32 v6, v4;
	(xrf0) =	vadd.scan.msk.s32 vm10, v1  }
0x2ac: {  	v20 =	vadd.s32 v19, v13;
	v13 =	vmpcnt.ones.xlane vm5;
	vm3 =	veq.s32 v7, v4;
	(xrf0) =	vadd.scan.msk.s32 vm5, v1  }
0x2ad: {  	v21 =	vadd.s32 v20, v12;
	v25 =	vmpcnt.ones.xlane vm3;
	vm4 =	veq.s32 v8, v4;
	(xrf0) =	vadd.scan.msk.s32 vm3, v1  }
0x2ae: {  	v22 =	vadd.s32 v21, v13;
	v26 =	vmpcnt.ones.xlane vm4;
	vm6 =	veq.s32 v9, v4;
	(xrf0) =	vadd.scan.msk.s32 vm4, v1  }
0x2af: {  	v23 =	vadd.s32 v22, v25;
	v24 =	vmpcnt.ones.xlane vm6;
	vm7 =	veq.s32 v10, v4;
	v12, _, _ =	vpop (xrf0);
	(xrf0) =	vadd.scan.msk.s32 vm6, v1  }
0x2b0: {  	v11 =	vadd.s32 v11, v12;
	v12 =	vadd.s32 v23, v26;
	v25 =	vmpcnt.ones.xlane vm7;
	v13, _, _ =	vpop (xrf0);
	(xrf0) =	vadd.scan.msk.s32 vm7, v1  }
.Ltmp41:
0x2b1: {  	vm11 =	vle.s32 v11, v5;
	v11 =	vadd.s32 v19, v13;
	v13 =	vadd.s32 v12, v24;
	v19, _, _ =	vpop (xrf0);
	[tilespmem:s11+$0xFFFFFFD0] =	vst v14;
	(pc) =	sbr.rel @p0 .LBB2_43-.Ltmp41, $4  }
0x2b2: {  	vm12 =	vle.s32 v11, v5;
	v14 =	vadd.s32 v20, v19;
	v11 =	vadd.s32 v13, v25;
	v19, _, _ =	vpop (xrf0);
	[tilespmem:s11+$0xFFFFFFE0] =	vst v15  }
0x2b3: {  	vm8 =	vmand vm8, vm11;
	vm11 =	vle.s32 v14, v5;
	v14 =	vadd.s32 v21, v19;
	v15, _, _ =	vpop (xrf0);
	[tilespmem:s11+$0xFFFFFFF0] =	vst v16  }
0x2b4: {  	vm9 =	vmand vm9, vm12;
	vm12 =	vle.s32 v14, v5;
	v14 =	vadd.s32 v22, v15;
	v15, _, _ =	vpop (xrf0);
	[tilespmem:s11+$0x0] =	vst v17  }
0x2b5: {  	vm10 =	vmand vm10, vm11;
	vm11 =	vle.s32 v14, v5;
	v14 =	vadd.s32 v23, v15;
	v15, _, _ =	vpop (xrf0);
	[tilespmem:s11+$0x10] =	vst v18  }
0x2b6: {  	vm5 =	vmand vm5, vm12  }
0x2b7: {  	v11, _, _ =	vpop (xrf0);
	v12 =	vadd.s32 v12, v15;
	vm3 =	vmand vm3, vm11;
	vm1 =	vmor vm1, vm9  }
0x2b8: {  	v11 =	vadd.s32 v13, v11;
	vm13 =	vle.s32 v12, v5;
	v63 =	vsel vm1, $0x3F800000, v3  }
0x2b9: {  	vm12 =	vle.s32 v11, v5;
	vm6 =	vmand vm6, vm13;
	vm13 =	vgt.s32 v9, v4  }
0x2ba: {  	s11 =	sadd.s32 $0x80, s11;
	vm7 =	vmand vm7, vm12;
	vm12 =	vgt.s32 v10, v4;
	vm6 =	vmor vm13, vm6  }
0x2bb: {  	vm0 =	vmor vm0, vm8;
	[tilespmem:s11+$0xFFFFFFD0] =	vst v63;
	vm7 =	vmor vm12, vm7;
	v62 =	vsel vm6, $0x3F800000, v3  }
0x2bc: {  	vm2 =	vmor vm2, vm10;
	vm12 =	vle.s32 v14, v5;
	v5 =	vsel vm7, $0x3F800000, v3;
	[tilespmem:s11+$0x20] =	vst v62  }
0x2bd: {  	vm4 =	vmand vm4, vm12;
	vm12 =	vgt.s32 v6, v4;
	[tilespmem:s11+$0x30] =	vst v5;
	v5 =	vsel vm0, $0x3F800000, v3  }
0x2be: {  	vm13 =	vgt.s32 v7, v4;
	vm0 =	vmor vm12, vm5;
	[tilespmem:s11+$0xFFFFFFC0] =	vst v5;
	v5 =	vsel vm2, $0x3F800000, v3  }
0x2bf: {  	vm14 =	vgt.s32 v8, v4;
	vm1 =	vmor vm13, vm3;
	v4 =	vsel vm0, $0x3F800000, v3;
	[tilespmem:s11+$0xFFFFFFE0] =	vst v5  }
0x2c0: {  	vm15 =	vmor vm14, vm4;
	v5 =	vsel vm1, $0x3F800000, v3;
	[tilespmem:s11+$0xFFFFFFF0] =	vst v4  }
0x2c1: {  	s2 =	sadd.s32 $0x1, s2;
	v4 =	vsel vm15, $0x3F800000, v3;
	[tilespmem:s11+$0x0] =	vst v5  }
0x2c2: {  	p0 =	sne.s32 s2, s5;
	[tilespmem:s11+$0x10] =	vst v4  }
0x2c3: {  	[hbm4b:s3+s6] =	stream.strided.scatter [tilespmem:s10], [sflag:$0x1], $0x2000, s7, s6, $0x38;
	[tilespmem:$0x8200] =	vst v63  }
.Ltmp42:
0x2c4: {  	_ = 	snop;
	(pc) =	sbr.rel @p0 .LBB2_2-.Ltmp42, $4  }
.Ltmp43:
0x2c5: {  	_ = 	snop;
	(pc) =	sbr.rel @!p0 .LBB2_45-.Ltmp43, $4  }
0x2c6: {  	_ =	swait.ge [sflag:s8], $0x2000  }
0x2c7: {  	[sflag:s8] =	ssyncset.done $0x0  }
0x2c8: {  	[sflag:s8] =	ssyncadd.s32 $0xFFFFE000  }
0x2c9: {  	_ = 	snop  }
.LBB2_49:
.Ltmp44:
0x2ca: {  	(pc) =	sbr.rel .LBB2_54-.Ltmp44, $2  }
0x2cb: {  	_ =	sdelay $0x2  }
0x2cc: {  	s14 =	simm.s32 $0x0;
	v14 =	vmov v5  }
.LBB2_58:
.Ltmp45:
0x2cd: {  	(pc) =	sbr.rel .LBB2_63-.Ltmp45, $2  }
0x2ce: {  	_ =	sdelay $0x2  }
0x2cf: {  	s14 =	simm.s32 $0x0;
	v14 =	vmov v5  }
.LBB2_67:
.Ltmp46:
0x2d0: {  	(pc) =	sbr.rel .LBB2_74-.Ltmp46, $2  }
0x2d1: {  	_ =	sdelay $0x2  }
0x2d2: {  	s14 =	simm.s32 $0x0;
	v16 =	vmov v4  }
.LBB2_51:
.Ltmp47:
0x2d3: {  	(pc) =	sbr.rel .LBB2_54-.Ltmp47, $3  }
0x2d4: {  	_ =	sdelay $0x1  }
0x2d5: {  	v19 =	vmov v10;
	v20 =	vmov v9;
	v18 =	vmov v7  }
0x2d6: {  	v10 =	vmovc v15;
	v9 =	vmovc v17;
	s14 =	simm.s32 $0x0;
	v14 =	vmov v5;
	v7 =	vmov v12;
	v13 =	vmov v11  }
.LBB2_60:
.Ltmp48:
0x2d7: {  	(pc) =	sbr.rel .LBB2_63-.Ltmp48, $3  }
0x2d8: {  	_ =	sdelay $0x1  }
0x2d9: {  	v19 =	vmov v10;
	v20 =	vmov v9;
	v18 =	vmov v4  }
0x2da: {  	v10 =	vmovc v15;
	v9 =	vmovc v17;
	s14 =	simm.s32 $0x0;
	v14 =	vmov v5;
	v4 =	vmov v12;
	v13 =	vmov v11  }
.LBB2_69:
.Ltmp49:
0x2db: {  	(pc) =	sbr.rel .LBB2_74-.Ltmp49, $3  }
0x2dc: {  	_ =	sdelay $0x1  }
0x2dd: {  	v23 =	vmovc v8;
	v18 =	vmov v12;
	v24 =	vmov v9;
	v19 =	vmov v15  }
0x2de: {  	s14 =	simm.s32 $0x0;
	v16 =	vmovc v4;
	v8 =	vmovc v11;
	v12 =	vmov v10;
	v9 =	vmov v13;
	v15 =	vmov v14  }
.LBB2_71:
.Ltmp50:
0x2df: {  	(pc) =	sbr.rel .LBB2_74-.Ltmp50, $3  }
0x2e0: {  	_ =	sdelay $0x1  }
0x2e1: {  	v22 =	vmovc v8;
	v16 =	vmov v4;
	v23 =	vmov v11;
	v8 =	vmov v18  }
0x2e2: {  	s14 =	simm.s32 $0x0;
	v18 =	vmovc v10;
	v12 =	vmovc v19;
	v24 =	vmov v13;
	v19 =	vmov v14;
	v15 =	vmov v17  }
.LBB2_45:
0x2e3: {  	_ =	sfence.sel $0x180000  }
0x2e4: {  	[bflag:$0x0] =	sbarrier.arrive $0xFFFF  }
0x2e5: {  	p0 =	sne.s32 s1, $0x0;
	_ =	strace $0x90000047  }
0x2e6: {  	s0 =	sadd.s32 @!p0 $0x100000, s0;
	[bflag:$0x2] =	sbarrier.arrive $0xFFFF  }
0x2e7: {  	[sflag:s0] =	ssyncadd.tile.s32 @!p0 $0x1;
	_ =	shalt  }
.Lfunc_end2:
_tile_overlayer_lowered:
.L_overlay_start_2:
0x2e8: {  	(tag) =	ssettag $0x2  }
0x2e9: {  	s0 =	rddreg [dreg:$0x0];
	s2 =	stileid.u32  }
0x2ea: {  	s1 =	rddreg [dreg:$0x1];
	p0 =	sne.s32 s2, $0x0  }
0x2eb: {  	s3 =	rddreg [dreg:$0x2];
	[bflag:$0x3] =	sbarrier.arrive $0xFFFF;
	s2 =	simm.s32 @!p0 $0x1C01  }
0x2ec: {  	[timem:s3], [sflag:s2] =	dma.local @!p0 [hbm:s0], s1  }
0x2ed: {  	s0 =	simm.s32 @!p0 $0x1  }
0x2ee: {  	_ =	swait.ge @!p0 [sflag:s0], s1  }
0x2ef: {  	s1 =	ssub.s32 @!p0 $0x0, s1;
	[sflag:s0] =	ssyncset.done @!p0 $0x0  }
0x2f0: {  	[sflag:s0] =	ssyncadd.s32 @!p0 s1  }
0x2f1: {  	[bflag:$0x3] =	sbarrier.arrive $0xFFFF  }
0x2f2: {  	_ =	shalt  }

</sc_bundles>
